<compile_context>
chip_gen: v7x
topology: tpu7x:2x2x1
jax: 0.10.2.dev20260603
libtpu: 0.0.44.dev20260713+nightly
codegen_flags: <defaults>
</compile_context>

<pallas_src>
import functools

import jax
import jax.numpy as jnp
from jax import lax
from jax.experimental import pallas as pl
from jax.experimental.pallas import tpu as pltpu
from jax.experimental.pallas import tpu_sc as plsc

NUM_CLASSES = 100000
HIDDEN = 128
BATCH = 16384

_info = plsc.get_sparse_core_info()
_NC, _NS, _L = _info.num_cores, _info.num_subcores, _info.num_lanes
_NW = _NC * _NS
_B_PER_W = BATCH // _NW
_NCH = 8
_CH = _B_PER_W // _NCH

_mesh = plsc.VectorSubcoreMesh(core_axis_name="c", subcore_axis_name="s")


@functools.partial(
    pl.kernel,
    mesh=_mesh,
    out_type=jax.ShapeDtypeStruct((BATCH, HIDDEN), jnp.float32),
    scratch_types=[
        pltpu.VMEM((_B_PER_W,), jnp.int32),
        pltpu.VMEM((_B_PER_W + _L,), jnp.int32),
        pltpu.VMEM((_B_PER_W, HIDDEN), jnp.float32),
        pltpu.VMEM((1, HIDDEN), jnp.float32),
        pltpu.SemaphoreType.DMA((_NCH,)),
        pltpu.SemaphoreType.DMA,
    ],
)
def _embed(
    labels_hbm, drop_hbm, table_hbm, out_hbm, idx_v, drop_v, rows_v, dbuf, gsem, osem
):
    wid = lax.axis_index("s") * _NC + lax.axis_index("c")
    base = wid * _B_PER_W
    pltpu.sync_copy(labels_hbm.at[pl.ds(base, _B_PER_W)], idx_v)

    def fire(j):
        return pltpu.async_copy(
            table_hbm.at[idx_v.at[pl.ds(j * _CH, _CH)]],
            rows_v.at[pl.ds(j * _CH, _CH), :],
            gsem.at[j],
        )

    gathers = [fire(0), fire(1), fire(2)]
    pltpu.sync_copy(drop_hbm.at[pl.ds(base, _B_PER_W)], drop_v.at[pl.ds(0, _B_PER_W)])
    pltpu.sync_copy(table_hbm.at[pl.ds(NUM_CLASSES, 1), :], dbuf)
    drow = [dbuf[0, pl.ds(c * _L, _L)] for c in range(HIDDEN // _L)]

    def patch(i, carry):
        w = drop_v[pl.ds(i, _L)]

        @pl.when(w[0] != 0)
        def _():
            for c in range(HIDDEN // _L):
                rows_v[i, pl.ds(c * _L, _L)] = drow[c]

        return carry

    outs = []
    for j in range(_NCH):
        gathers[j].wait()
        if j + 3 < _NCH:
            gathers.append(fire(j + 3))
        lax.fori_loop(j * _CH, (j + 1) * _CH, patch, None)
        outs.append(
            pltpu.async_copy(
                rows_v.at[pl.ds(j * _CH, _CH), :],
                out_hbm.at[pl.ds(base + j * _CH, _CH)],
                osem,
            )
        )
    for o in outs:
        o.wait()


def kernel(labels, force_drop_ids, embedding_table):
    return _embed(
        labels.astype(jnp.int32),
        force_drop_ids.astype(jnp.int32),
        embedding_table,
    )

# --- scband reference (transcript-rebuilt; emitter-appended) ---
"""Pipeline reference for scband-label-embedder-17540646436892 (READ-ONLY COPY).

The authoritative reference and input builder live on the scoring server;
editing this copy changes nothing except your own understanding.
"""

import jax, jax.numpy as jnp
import numpy as np

NUM_CLASSES = 100000
HIDDEN_SIZE = 128

def setup_inputs(seed: int = 0) -> dict:
    key = jax.random.key(seed)
    k1, k2, k3 = jax.random.split(key, 3)
    labels = jax.random.randint(k1, (16384,), 0, NUM_CLASSES, dtype=jnp.int64 if jax.config.jax_enable_x64 else jnp.int32)
    force_drop_ids = jax.random.randint(k2, (16384,), 0, 2, dtype=jnp.int64 if jax.config.jax_enable_x64 else jnp.int32)
    embedding_table = jax.random.normal(k3, (NUM_CLASSES + 1, HIDDEN_SIZE), dtype=jnp.float32)
    return {"labels": labels, "force_drop_ids": force_drop_ids, "embedding_table": embedding_table}

def reference(labels, force_drop_ids, embedding_table):
    # token_drop with force_drop_ids provided: drop_ids = force_drop_ids.bool()
    drop_ids = force_drop_ids.astype(bool)
    labels = jnp.where(drop_ids, NUM_CLASSES, labels)
    # embedding lookup (gather)
    return jnp.take(embedding_table, labels, axis=0)

if __name__ == "__main__":
    import jax
    _d = setup_inputs()
    print(jax.jit(kernel)(*tuple(_d.values())))

</pallas_src>

<mosaic_0001>
#map = affine_map<(d0, d1) -> (0)>
#map1 = affine_map<(d0, d1) -> (0, 0)>
module attributes {stable_mosaic.version = 14 : i64} {
  func.func @_embed(%arg0: i32, %arg1: i32, %arg2: memref<16384xi32, #tpu.memory_space<hbm>>, %arg3: memref<16384xi32, #tpu.memory_space<hbm>>, %arg4: memref<100001x128xf32, #tpu.memory_space<hbm>>, %arg5: memref<16384x128xf32, #tpu.memory_space<hbm>>, %arg6: memref<512xi32, #tpu.memory_space<vmem>>, %arg7: memref<528xi32, #tpu.memory_space<vmem>>, %arg8: memref<512x128xf32, #tpu.memory_space<vmem>>, %arg9: memref<1x128xf32, #tpu.memory_space<vmem>>, %arg10: memref<8x!tpu.dma_semaphore, #tpu.memory_space<semaphore_mem>>, %arg11: memref<!tpu.dma_semaphore, #tpu.memory_space<semaphore_mem>>) attributes {dimension_semantics = [#tpu.dimension_semantics<core_parallel>, #tpu.dimension_semantics<subcore_parallel>], iteration_bounds = array<i64: 2, 16>, scalar_prefetch = 0 : i64, scratch_operands = 6 : i64, tpu.core_type = #tpu.core_type<sc_vector_subcore>, window_params = [{transform_indices = #map}, {transform_indices = #map}, {transform_indices = #map1}, {transform_indices = #map1}]} {
    %mul3A = arith.constant 2 : i32
    %mul3A_0 = arith.muli %arg1, %mul3A : i32
    %add3A = arith.addi %mul3A_0, %arg0 : i32
    %mul3A_1 = arith.constant 512 : i32
    %mul3A_2 = arith.muli %add3A, %mul3A_1 : i32
    "tpu.region"() ({
      %run_scoped3A = tpu.sem_alloc : memref<!tpu.dma_semaphore, #tpu.memory_space<semaphore_mem>>
      %dma_start3A_431 = tpu.memref_slice %arg2[%mul3A_2] : memref<16384xi32, #tpu.memory_space<hbm>> -> memref<512xi32, #tpu.memory_space<hbm>>
      %dma_start3A_432 = tpu.memref_slice %arg2[%mul3A_2] : memref<16384xi32, #tpu.memory_space<hbm>> -> memref<512xi32, #tpu.memory_space<hbm>>
      tpu.enqueue_dma source(%dma_start3A_432 : memref<512xi32, #tpu.memory_space<hbm>>) target(%arg6 : memref<512xi32, #tpu.memory_space<vmem>>) target_semaphore(%run_scoped3A : memref<!tpu.dma_semaphore, #tpu.memory_space<semaphore_mem>>)
      %dma_wait3A_433 = tpu.memref_slice %arg2[%mul3A_2] : memref<16384xi32, #tpu.memory_space<hbm>> -> memref<512xi32, #tpu.memory_space<hbm>>
      %dma_wait3A_434 = tpu.memref_slice %arg2[%mul3A_2] : memref<16384xi32, #tpu.memory_space<hbm>> -> memref<512xi32, #tpu.memory_space<hbm>>
      tpu.wait_dma2 semaphore(%run_scoped3A : memref<!tpu.dma_semaphore, #tpu.memory_space<semaphore_mem>>) src(%dma_wait3A_434 : memref<512xi32, #tpu.memory_space<hbm>>) dst(%arg6 : memref<512xi32, #tpu.memory_space<vmem>>)
      tpu.yield
    }) : () -> ()
    %dma_start3A = arith.constant 0 : i32
    %dma_start3A_3 = arith.constant 0 : i32
    %dma_start3A_4 = arith.constant 0 : i32
    %dma_start3A_5 = tpu.memref_slice %arg8[%dma_start3A_3, %dma_start3A_4] : memref<512x128xf32, #tpu.memory_space<vmem>> -> memref<64x128xf32, #tpu.memory_space<vmem>>
    %dma_start3A_6 = arith.constant 0 : i32
    %dma_start3A_7 = tpu.memref_slice %arg6[%dma_start3A_6] : memref<512xi32, #tpu.memory_space<vmem>> -> memref<64xi32, #tpu.memory_space<vmem>>
    %dma_start3A_8 = arith.constant 0 : i32
    %dma_start3A_9 = arith.constant 0 : i32
    %dma_start3A_10 = tpu.memref_slice %arg4[%dma_start3A_8, %dma_start3A_9] : memref<100001x128xf32, #tpu.memory_space<hbm>> -> memref<100001x128xf32, #tpu.memory_space<hbm>>
    %dma_start3A_11 = tpu.memref_slice %arg10[%dma_start3A] : memref<8x!tpu.dma_semaphore, #tpu.memory_space<semaphore_mem>> -> memref<1x!tpu.dma_semaphore, #tpu.memory_space<semaphore_mem>>
    %dma_start3A_12 = tpu.memref_squeeze %dma_start3A_11 : memref<1x!tpu.dma_semaphore, #tpu.memory_space<semaphore_mem>> -> memref<!tpu.dma_semaphore, #tpu.memory_space<semaphore_mem>>
    tpu.enqueue_indirect_dma source(%dma_start3A_10 : memref<100001x128xf32, #tpu.memory_space<hbm>>) target(%dma_start3A_5 : memref<64x128xf32, #tpu.memory_space<vmem>>) offsets(%dma_start3A_7 : memref<64xi32, #tpu.memory_space<vmem>>) semaphore(%dma_start3A_12 : memref<!tpu.dma_semaphore, #tpu.memory_space<semaphore_mem>>)
    %dma_start3A_13 = arith.constant 1 : i32
    %dma_start3A_14 = arith.constant 64 : i32
    %dma_start3A_15 = arith.constant 0 : i32
    %dma_start3A_16 = tpu.memref_slice %arg8[%dma_start3A_14, %dma_start3A_15] : memref<512x128xf32, #tpu.memory_space<vmem>> -> memref<64x128xf32, #tpu.memory_space<vmem>>
    %dma_start3A_17 = arith.constant 64 : i32
    %dma_start3A_18 = tpu.memref_slice %arg6[%dma_start3A_17] : memref<512xi32, #tpu.memory_space<vmem>> -> memref<64xi32, #tpu.memory_space<vmem>>
    %dma_start3A_19 = arith.constant 0 : i32
    %dma_start3A_20 = arith.constant 0 : i32
    %dma_start3A_21 = tpu.memref_slice %arg4[%dma_start3A_19, %dma_start3A_20] : memref<100001x128xf32, #tpu.memory_space<hbm>> -> memref<100001x128xf32, #tpu.memory_space<hbm>>
    %dma_start3A_22 = tpu.memref_slice %arg10[%dma_start3A_13] : memref<8x!tpu.dma_semaphore, #tpu.memory_space<semaphore_mem>> -> memref<1x!tpu.dma_semaphore, #tpu.memory_space<semaphore_mem>>
    %dma_start3A_23 = tpu.memref_squeeze %dma_start3A_22 : memref<1x!tpu.dma_semaphore, #tpu.memory_space<semaphore_mem>> -> memref<!tpu.dma_semaphore, #tpu.memory_space<semaphore_mem>>
    tpu.enqueue_indirect_dma source(%dma_start3A_21 : memref<100001x128xf32, #tpu.memory_space<hbm>>) target(%dma_start3A_16 : memref<64x128xf32, #tpu.memory_space<vmem>>) offsets(%dma_start3A_18 : memref<64xi32, #tpu.memory_space<vmem>>) semaphore(%dma_start3A_23 : memref<!tpu.dma_semaphore, #tpu.memory_space<semaphore_mem>>)
    %dma_start3A_24 = arith.constant 2 : i32
    %dma_start3A_25 = arith.constant 128 : i32
    %dma_start3A_26 = arith.constant 0 : i32
    %dma_start3A_27 = tpu.memref_slice %arg8[%dma_start3A_25, %dma_start3A_26] : memref<512x128xf32, #tpu.memory_space<vmem>> -> memref<64x128xf32, #tpu.memory_space<vmem>>
    %dma_start3A_28 = arith.constant 128 : i32
    %dma_start3A_29 = tpu.memref_slice %arg6[%dma_start3A_28] : memref<512xi32, #tpu.memory_space<vmem>> -> memref<64xi32, #tpu.memory_space<vmem>>
    %dma_start3A_30 = arith.constant 0 : i32
    %dma_start3A_31 = arith.constant 0 : i32
    %dma_start3A_32 = tpu.memref_slice %arg4[%dma_start3A_30, %dma_start3A_31] : memref<100001x128xf32, #tpu.memory_space<hbm>> -> memref<100001x128xf32, #tpu.memory_space<hbm>>
    %dma_start3A_33 = tpu.memref_slice %arg10[%dma_start3A_24] : memref<8x!tpu.dma_semaphore, #tpu.memory_space<semaphore_mem>> -> memref<1x!tpu.dma_semaphore, #tpu.memory_space<semaphore_mem>>
    %dma_start3A_34 = tpu.memref_squeeze %dma_start3A_33 : memref<1x!tpu.dma_semaphore, #tpu.memory_space<semaphore_mem>> -> memref<!tpu.dma_semaphore, #tpu.memory_space<semaphore_mem>>
    tpu.enqueue_indirect_dma source(%dma_start3A_32 : memref<100001x128xf32, #tpu.memory_space<hbm>>) target(%dma_start3A_27 : memref<64x128xf32, #tpu.memory_space<vmem>>) offsets(%dma_start3A_29 : memref<64xi32, #tpu.memory_space<vmem>>) semaphore(%dma_start3A_34 : memref<!tpu.dma_semaphore, #tpu.memory_space<semaphore_mem>>)
    "tpu.region"() ({
      %run_scoped3A = tpu.sem_alloc : memref<!tpu.dma_semaphore, #tpu.memory_space<semaphore_mem>>
      %dma_start3A_431 = arith.constant 0 : i32
      %dma_start3A_432 = tpu.memref_slice %arg7[%dma_start3A_431] : memref<528xi32, #tpu.memory_space<vmem>> -> memref<512xi32, #tpu.memory_space<vmem>>
      %dma_start3A_433 = tpu.memref_slice %arg3[%mul3A_2] : memref<16384xi32, #tpu.memory_space<hbm>> -> memref<512xi32, #tpu.memory_space<hbm>>
      %dma_start3A_434 = arith.constant 0 : i32
      %dma_start3A_435 = tpu.memref_slice %arg7[%dma_start3A_434] : memref<528xi32, #tpu.memory_space<vmem>> -> memref<512xi32, #tpu.memory_space<vmem>>
      %dma_start3A_436 = tpu.memref_slice %arg3[%mul3A_2] : memref<16384xi32, #tpu.memory_space<hbm>> -> memref<512xi32, #tpu.memory_space<hbm>>
      tpu.enqueue_dma source(%dma_start3A_436 : memref<512xi32, #tpu.memory_space<hbm>>) target(%dma_start3A_435 : memref<512xi32, #tpu.memory_space<vmem>>) target_semaphore(%run_scoped3A : memref<!tpu.dma_semaphore, #tpu.memory_space<semaphore_mem>>)
      %dma_wait3A_437 = arith.constant 0 : i32
      %dma_wait3A_438 = tpu.memref_slice %arg7[%dma_wait3A_437] : memref<528xi32, #tpu.memory_space<vmem>> -> memref<512xi32, #tpu.memory_space<vmem>>
      %dma_wait3A_439 = tpu.memref_slice %arg3[%mul3A_2] : memref<16384xi32, #tpu.memory_space<hbm>> -> memref<512xi32, #tpu.memory_space<hbm>>
      %dma_wait3A_440 = arith.constant 0 : i32
      %dma_wait3A_441 = tpu.memref_slice %arg7[%dma_wait3A_440] : memref<528xi32, #tpu.memory_space<vmem>> -> memref<512xi32, #tpu.memory_space<vmem>>
      %dma_wait3A_442 = tpu.memref_slice %arg3[%mul3A_2] : memref<16384xi32, #tpu.memory_space<hbm>> -> memref<512xi32, #tpu.memory_space<hbm>>
      tpu.wait_dma2 semaphore(%run_scoped3A : memref<!tpu.dma_semaphore, #tpu.memory_space<semaphore_mem>>) src(%dma_wait3A_442 : memref<512xi32, #tpu.memory_space<hbm>>) dst(%dma_wait3A_441 : memref<512xi32, #tpu.memory_space<vmem>>)
      tpu.yield
    }) : () -> ()
    "tpu.region"() ({
      %run_scoped3A = tpu.sem_alloc : memref<!tpu.dma_semaphore, #tpu.memory_space<semaphore_mem>>
      %dma_start3A_431 = arith.constant 100000 : i32
      %dma_start3A_432 = arith.constant 0 : i32
      %dma_start3A_433 = tpu.memref_slice %arg4[%dma_start3A_431, %dma_start3A_432] : memref<100001x128xf32, #tpu.memory_space<hbm>> -> memref<1x128xf32, #tpu.memory_space<hbm>>
      %dma_start3A_434 = arith.constant 100000 : i32
      %dma_start3A_435 = arith.constant 0 : i32
      %dma_start3A_436 = tpu.memref_slice %arg4[%dma_start3A_434, %dma_start3A_435] : memref<100001x128xf32, #tpu.memory_space<hbm>> -> memref<1x128xf32, #tpu.memory_space<hbm>>
      tpu.enqueue_dma source(%dma_start3A_436 : memref<1x128xf32, #tpu.memory_space<hbm>>) target(%arg9 : memref<1x128xf32, #tpu.memory_space<vmem>>) target_semaphore(%run_scoped3A : memref<!tpu.dma_semaphore, #tpu.memory_space<semaphore_mem>>)
      %dma_wait3A_437 = arith.constant 100000 : i32
      %dma_wait3A_438 = arith.constant 0 : i32
      %dma_wait3A_439 = tpu.memref_slice %arg4[%dma_wait3A_437, %dma_wait3A_438] : memref<100001x128xf32, #tpu.memory_space<hbm>> -> memref<1x128xf32, #tpu.memory_space<hbm>>
      %dma_wait3A_440 = arith.constant 100000 : i32
      %dma_wait3A_441 = arith.constant 0 : i32
      %dma_wait3A_442 = tpu.memref_slice %arg4[%dma_wait3A_440, %dma_wait3A_441] : memref<100001x128xf32, #tpu.memory_space<hbm>> -> memref<1x128xf32, #tpu.memory_space<hbm>>
      tpu.wait_dma2 semaphore(%run_scoped3A : memref<!tpu.dma_semaphore, #tpu.memory_space<semaphore_mem>>) src(%dma_wait3A_442 : memref<1x128xf32, #tpu.memory_space<hbm>>) dst(%arg9 : memref<1x128xf32, #tpu.memory_space<vmem>>)
      tpu.yield
    }) : () -> ()
    %get3A = arith.constant 0 : i32
    %get3A_35 = arith.index_cast %get3A : i32 to index
    %get3A_36 = arith.constant 0 : index
    %get3A_37 = tpu.vector_load %arg9[%get3A_35, %get3A_36] {strides = array<i32>} : memref<1x128xf32, #tpu.memory_space<vmem>>, vector<1x16xf32>,
    %get3A_38 = vector.shape_cast %get3A_37 : vector<1x16xf32> to vector<16xf32>
    %get3A_39 = arith.constant 0 : i32
    %get3A_40 = arith.index_cast %get3A_39 : i32 to index
    %get3A_41 = arith.constant 16 : index
    %get3A_42 = tpu.vector_load %arg9[%get3A_40, %get3A_41] {strides = array<i32>} : memref<1x128xf32, #tpu.memory_space<vmem>>, vector<1x16xf32>,
    %get3A_43 = vector.shape_cast %get3A_42 : vector<1x16xf32> to vector<16xf32>
    %get3A_44 = arith.constant 0 : i32
    %get3A_45 = arith.index_cast %get3A_44 : i32 to index
    %get3A_46 = arith.constant 32 : index
    %get3A_47 = tpu.vector_load %arg9[%get3A_45, %get3A_46] {strides = array<i32>} : memref<1x128xf32, #tpu.memory_space<vmem>>, vector<1x16xf32>,
    %get3A_48 = vector.shape_cast %get3A_47 : vector<1x16xf32> to vector<16xf32>
    %get3A_49 = arith.constant 0 : i32
    %get3A_50 = arith.index_cast %get3A_49 : i32 to index
    %get3A_51 = arith.constant 48 : index
    %get3A_52 = tpu.vector_load %arg9[%get3A_50, %get3A_51] {strides = array<i32>} : memref<1x128xf32, #tpu.memory_space<vmem>>, vector<1x16xf32>,
    %get3A_53 = vector.shape_cast %get3A_52 : vector<1x16xf32> to vector<16xf32>
    %get3A_54 = arith.constant 0 : i32
    %get3A_55 = arith.index_cast %get3A_54 : i32 to index
    %get3A_56 = arith.constant 64 : index
    %get3A_57 = tpu.vector_load %arg9[%get3A_55, %get3A_56] {strides = array<i32>} : memref<1x128xf32, #tpu.memory_space<vmem>>, vector<1x16xf32>,
    %get3A_58 = vector.shape_cast %get3A_57 : vector<1x16xf32> to vector<16xf32>
    %get3A_59 = arith.constant 0 : i32
    %get3A_60 = arith.index_cast %get3A_59 : i32 to index
    %get3A_61 = arith.constant 80 : index
    %get3A_62 = tpu.vector_load %arg9[%get3A_60, %get3A_61] {strides = array<i32>} : memref<1x128xf32, #tpu.memory_space<vmem>>, vector<1x16xf32>,
    %get3A_63 = vector.shape_cast %get3A_62 : vector<1x16xf32> to vector<16xf32>
    %get3A_64 = arith.constant 0 : i32
    %get3A_65 = arith.index_cast %get3A_64 : i32 to index
    %get3A_66 = arith.constant 96 : index
    %get3A_67 = tpu.vector_load %arg9[%get3A_65, %get3A_66] {strides = array<i32>} : memref<1x128xf32, #tpu.memory_space<vmem>>, vector<1x16xf32>,
    %get3A_68 = vector.shape_cast %get3A_67 : vector<1x16xf32> to vector<16xf32>
    %get3A_69 = arith.constant 0 : i32
    %get3A_70 = arith.index_cast %get3A_69 : i32 to index
    %get3A_71 = arith.constant 112 : index
    %get3A_72 = tpu.vector_load %arg9[%get3A_70, %get3A_71] {strides = array<i32>} : memref<1x128xf32, #tpu.memory_space<vmem>>, vector<1x16xf32>,
    %get3A_73 = vector.shape_cast %get3A_72 : vector<1x16xf32> to vector<16xf32>
    %dma_wait3A = arith.constant 0 : i32
    %dma_wait3A_74 = arith.constant 0 : i32
    %dma_wait3A_75 = arith.constant 0 : i32
    %dma_wait3A_76 = tpu.memref_slice %arg8[%dma_wait3A_74, %dma_wait3A_75] : memref<512x128xf32, #tpu.memory_space<vmem>> -> memref<64x128xf32, #tpu.memory_space<vmem>>
    %dma_wait3A_77 = arith.constant 0 : i32
    %dma_wait3A_78 = tpu.memref_slice %arg6[%dma_wait3A_77] : memref<512xi32, #tpu.memory_space<vmem>> -> memref<64xi32, #tpu.memory_space<vmem>>
    %dma_wait3A_79 = arith.constant 0 : i32
    %dma_wait3A_80 = arith.constant 0 : i32
    %dma_wait3A_81 = tpu.memref_slice %arg4[%dma_wait3A_79, %dma_wait3A_80] : memref<100001x128xf32, #tpu.memory_space<hbm>> -> memref<100001x128xf32, #tpu.memory_space<hbm>>
    %dma_wait3A_82 = tpu.memref_slice %arg10[%dma_wait3A] : memref<8x!tpu.dma_semaphore, #tpu.memory_space<semaphore_mem>> -> memref<1x!tpu.dma_semaphore, #tpu.memory_space<semaphore_mem>>
    %dma_wait3A_83 = tpu.memref_squeeze %dma_wait3A_82 : memref<1x!tpu.dma_semaphore, #tpu.memory_space<semaphore_mem>> -> memref<!tpu.dma_semaphore, #tpu.memory_space<semaphore_mem>>
    tpu.wait_indirect_dma semaphore(%dma_wait3A_83 : memref<!tpu.dma_semaphore, #tpu.memory_space<semaphore_mem>>) src(%dma_wait3A_81 : memref<100001x128xf32, #tpu.memory_space<hbm>>) dst(%dma_wait3A_76 : memref<64x128xf32, #tpu.memory_space<vmem>>)
    %dma_start3A_84 = arith.constant 3 : i32
    %dma_start3A_85 = arith.constant 192 : i32
    %dma_start3A_86 = arith.constant 0 : i32
    %dma_start3A_87 = tpu.memref_slice %arg8[%dma_start3A_85, %dma_start3A_86] : memref<512x128xf32, #tpu.memory_space<vmem>> -> memref<64x128xf32, #tpu.memory_space<vmem>>
    %dma_start3A_88 = arith.constant 192 : i32
    %dma_start3A_89 = tpu.memref_slice %arg6[%dma_start3A_88] : memref<512xi32, #tpu.memory_space<vmem>> -> memref<64xi32, #tpu.memory_space<vmem>>
    %dma_start3A_90 = arith.constant 0 : i32
    %dma_start3A_91 = arith.constant 0 : i32
    %dma_start3A_92 = tpu.memref_slice %arg4[%dma_start3A_90, %dma_start3A_91] : memref<100001x128xf32, #tpu.memory_space<hbm>> -> memref<100001x128xf32, #tpu.memory_space<hbm>>
    %dma_start3A_93 = tpu.memref_slice %arg10[%dma_start3A_84] : memref<8x!tpu.dma_semaphore, #tpu.memory_space<semaphore_mem>> -> memref<1x!tpu.dma_semaphore, #tpu.memory_space<semaphore_mem>>
    %dma_start3A_94 = tpu.memref_squeeze %dma_start3A_93 : memref<1x!tpu.dma_semaphore, #tpu.memory_space<semaphore_mem>> -> memref<!tpu.dma_semaphore, #tpu.memory_space<semaphore_mem>>
    tpu.enqueue_indirect_dma source(%dma_start3A_92 : memref<100001x128xf32, #tpu.memory_space<hbm>>) target(%dma_start3A_87 : memref<64x128xf32, #tpu.memory_space<vmem>>) offsets(%dma_start3A_89 : memref<64xi32, #tpu.memory_space<vmem>>) semaphore(%dma_start3A_94 : memref<!tpu.dma_semaphore, #tpu.memory_space<semaphore_mem>>)
    %scan3A = arith.constant 0 : i32
    %scan3A_95 = arith.constant 64 : i32
    %scan3A_96 = arith.addi %scan3A, %scan3A_95 : i32
    %scan3A_97 = arith.constant 1 : i32
    scf.for %scan3A_431 = %scan3A to %scan3A_96 step %scan3A_97  : i32 {
      %get3A_432 = arith.index_cast %scan3A_431 : i32 to index
      %get3A_433 = tpu.vector_load %arg7[%get3A_432] {strides = array<i32>} : memref<528xi32, #tpu.memory_space<vmem>>, vector<16xi32>,
      %get3A_434 = vector.shape_cast %get3A_433 : vector<16xi32> to vector<16xi32>
      %slice3A = vector.extract_strided_slice %get3A_434 {offsets = [0], sizes = [1], strides = [1]} : vector<16xi32> to vector<1xi32>
      %squeeze3A = vector.extract %slice3A[0] : i32 from vector<1xi32>
      %ne3A = arith.constant 0 : i32
      %ne3A_435 = arith.cmpi ne, %squeeze3A, %ne3A : i32
      %convert_element_type3A = arith.extui %ne3A_435 : i1 to i32
      %cond3A = arith.constant 0 : i32
      %cond3A_436 = arith.cmpi ne, %convert_element_type3A, %cond3A : i32
      scf.if %cond3A_436 {
        %swap3A = arith.index_cast %scan3A_431 : i32 to index
        %swap3A_437 = arith.constant 0 : index
        %swap3A_438 = tpu.vector_load %arg8[%swap3A, %swap3A_437] {strides = array<i32>} : memref<512x128xf32, #tpu.memory_space<vmem>>, vector<1x16xf32>,
        %swap3A_439 = vector.shape_cast %swap3A_438 : vector<1x16xf32> to vector<16xf32>
        %swap3A_440 = vector.shape_cast %get3A_38 : vector<16xf32> to vector<1x16xf32>
        tpu.vector_store %arg8[%swap3A, %swap3A_437], %swap3A_440 {strides = array<i32>} : memref<512x128xf32, #tpu.memory_space<vmem>>, vector<1x16xf32>,
        %swap3A_441 = arith.index_cast %scan3A_431 : i32 to index
        %swap3A_442 = arith.constant 16 : index
        %swap3A_443 = tpu.vector_load %arg8[%swap3A_441, %swap3A_442] {strides = array<i32>} : memref<512x128xf32, #tpu.memory_space<vmem>>, vector<1x16xf32>,
        %swap3A_444 = vector.shape_cast %swap3A_443 : vector<1x16xf32> to vector<16xf32>
        %swap3A_445 = vector.shape_cast %get3A_43 : vector<16xf32> to vector<1x16xf32>
        tpu.vector_store %arg8[%swap3A_441, %swap3A_442], %swap3A_445 {strides = array<i32>} : memref<512x128xf32, #tpu.memory_space<vmem>>, vector<1x16xf32>,
        %swap3A_446 = arith.index_cast %scan3A_431 : i32 to index
        %swap3A_447 = arith.constant 32 : index
        %swap3A_448 = tpu.vector_load %arg8[%swap3A_446, %swap3A_447] {strides = array<i32>} : memref<512x128xf32, #tpu.memory_space<vmem>>, vector<1x16xf32>,
        %swap3A_449 = vector.shape_cast %swap3A_448 : vector<1x16xf32> to vector<16xf32>
        %swap3A_450 = vector.shape_cast %get3A_48 : vector<16xf32> to vector<1x16xf32>
        tpu.vector_store %arg8[%swap3A_446, %swap3A_447], %swap3A_450 {strides = array<i32>} : memref<512x128xf32, #tpu.memory_space<vmem>>, vector<1x16xf32>,
        %swap3A_451 = arith.index_cast %scan3A_431 : i32 to index
        %swap3A_452 = arith.constant 48 : index
        %swap3A_453 = tpu.vector_load %arg8[%swap3A_451, %swap3A_452] {strides = array<i32>} : memref<512x128xf32, #tpu.memory_space<vmem>>, vector<1x16xf32>,
        %swap3A_454 = vector.shape_cast %swap3A_453 : vector<1x16xf32> to vector<16xf32>
        %swap3A_455 = vector.shape_cast %get3A_53 : vector<16xf32> to vector<1x16xf32>
        tpu.vector_store %arg8[%swap3A_451, %swap3A_452], %swap3A_455 {strides = array<i32>} : memref<512x128xf32, #tpu.memory_space<vmem>>, vector<1x16xf32>,
        %swap3A_456 = arith.index_cast %scan3A_431 : i32 to index
        %swap3A_457 = arith.constant 64 : index
        %swap3A_458 = tpu.vector_load %arg8[%swap3A_456, %swap3A_457] {strides = array<i32>} : memref<512x128xf32, #tpu.memory_space<vmem>>, vector<1x16xf32>,
        %swap3A_459 = vector.shape_cast %swap3A_458 : vector<1x16xf32> to vector<16xf32>
        %swap3A_460 = vector.shape_cast %get3A_58 : vector<16xf32> to vector<1x16xf32>
        tpu.vector_store %arg8[%swap3A_456, %swap3A_457], %swap3A_460 {strides = array<i32>} : memref<512x128xf32, #tpu.memory_space<vmem>>, vector<1x16xf32>,
        %swap3A_461 = arith.index_cast %scan3A_431 : i32 to index
        %swap3A_462 = arith.constant 80 : index
        %swap3A_463 = tpu.vector_load %arg8[%swap3A_461, %swap3A_462] {strides = array<i32>} : memref<512x128xf32, #tpu.memory_space<vmem>>, vector<1x16xf32>,
        %swap3A_464 = vector.shape_cast %swap3A_463 : vector<1x16xf32> to vector<16xf32>
        %swap3A_465 = vector.shape_cast %get3A_63 : vector<16xf32> to vector<1x16xf32>
        tpu.vector_store %arg8[%swap3A_461, %swap3A_462], %swap3A_465 {strides = array<i32>} : memref<512x128xf32, #tpu.memory_space<vmem>>, vector<1x16xf32>,
        %swap3A_466 = arith.index_cast %scan3A_431 : i32 to index
        %swap3A_467 = arith.constant 96 : index
        %swap3A_468 = tpu.vector_load %arg8[%swap3A_466, %swap3A_467] {strides = array<i32>} : memref<512x128xf32, #tpu.memory_space<vmem>>, vector<1x16xf32>,
        %swap3A_469 = vector.shape_cast %swap3A_468 : vector<1x16xf32> to vector<16xf32>
        %swap3A_470 = vector.shape_cast %get3A_68 : vector<16xf32> to vector<1x16xf32>
        tpu.vector_store %arg8[%swap3A_466, %swap3A_467], %swap3A_470 {strides = array<i32>} : memref<512x128xf32, #tpu.memory_space<vmem>>, vector<1x16xf32>,
        %swap3A_471 = arith.index_cast %scan3A_431 : i32 to index
        %swap3A_472 = arith.constant 112 : index
        %swap3A_473 = tpu.vector_load %arg8[%swap3A_471, %swap3A_472] {strides = array<i32>} : memref<512x128xf32, #tpu.memory_space<vmem>>, vector<1x16xf32>,
        %swap3A_474 = vector.shape_cast %swap3A_473 : vector<1x16xf32> to vector<16xf32>
        %swap3A_475 = vector.shape_cast %get3A_73 : vector<16xf32> to vector<1x16xf32>
        tpu.vector_store %arg8[%swap3A_471, %swap3A_472], %swap3A_475 {strides = array<i32>} : memref<512x128xf32, #tpu.memory_space<vmem>>, vector<1x16xf32>,
      } else {
      }
    }
    %scan3A_98 = arith.constant 64 : i32
    %add3A_99 = arith.constant 0 : i32
    %add3A_100 = arith.addi %mul3A_2, %add3A_99 : i32
    %dma_start3A_101 = arith.constant 0 : i32
    %dma_start3A_102 = arith.constant 0 : i32
    %dma_start3A_103 = tpu.memref_slice %arg8[%dma_start3A_101, %dma_start3A_102] : memref<512x128xf32, #tpu.memory_space<vmem>> -> memref<64x128xf32, #tpu.memory_space<vmem>>
    %dma_start3A_104 = arith.constant 0 : i32
    %dma_start3A_105 = tpu.memref_slice %arg5[%add3A_100, %dma_start3A_104] : memref<16384x128xf32, #tpu.memory_space<hbm>> -> memref<64x128xf32, #tpu.memory_space<hbm>>
    %dma_start3A_106 = arith.constant 0 : i32
    %dma_start3A_107 = tpu.memref_slice %arg5[%add3A_100, %dma_start3A_106] : memref<16384x128xf32, #tpu.memory_space<hbm>> -> memref<64x128xf32, #tpu.memory_space<hbm>>
    %dma_start3A_108 = arith.constant 0 : i32
    %dma_start3A_109 = arith.constant 0 : i32
    %dma_start3A_110 = tpu.memref_slice %arg8[%dma_start3A_108, %dma_start3A_109] : memref<512x128xf32, #tpu.memory_space<vmem>> -> memref<64x128xf32, #tpu.memory_space<vmem>>
    tpu.enqueue_dma source(%dma_start3A_110 : memref<64x128xf32, #tpu.memory_space<vmem>>) target(%dma_start3A_107 : memref<64x128xf32, #tpu.memory_space<hbm>>) target_semaphore(%arg11 : memref<!tpu.dma_semaphore, #tpu.memory_space<semaphore_mem>>)
    %dma_wait3A_111 = arith.constant 1 : i32
    %dma_wait3A_112 = arith.constant 64 : i32
    %dma_wait3A_113 = arith.constant 0 : i32
    %dma_wait3A_114 = tpu.memref_slice %arg8[%dma_wait3A_112, %dma_wait3A_113] : memref<512x128xf32, #tpu.memory_space<vmem>> -> memref<64x128xf32, #tpu.memory_space<vmem>>
    %dma_wait3A_115 = arith.constant 64 : i32
    %dma_wait3A_116 = tpu.memref_slice %arg6[%dma_wait3A_115] : memref<512xi32, #tpu.memory_space<vmem>> -> memref<64xi32, #tpu.memory_space<vmem>>
    %dma_wait3A_117 = arith.constant 0 : i32
    %dma_wait3A_118 = arith.constant 0 : i32
    %dma_wait3A_119 = tpu.memref_slice %arg4[%dma_wait3A_117, %dma_wait3A_118] : memref<100001x128xf32, #tpu.memory_space<hbm>> -> memref<100001x128xf32, #tpu.memory_space<hbm>>
    %dma_wait3A_120 = tpu.memref_slice %arg10[%dma_wait3A_111] : memref<8x!tpu.dma_semaphore, #tpu.memory_space<semaphore_mem>> -> memref<1x!tpu.dma_semaphore, #tpu.memory_space<semaphore_mem>>
    %dma_wait3A_121 = tpu.memref_squeeze %dma_wait3A_120 : memref<1x!tpu.dma_semaphore, #tpu.memory_space<semaphore_mem>> -> memref<!tpu.dma_semaphore, #tpu.memory_space<semaphore_mem>>
    tpu.wait_indirect_dma semaphore(%dma_wait3A_121 : memref<!tpu.dma_semaphore, #tpu.memory_space<semaphore_mem>>) src(%dma_wait3A_119 : memref<100001x128xf32, #tpu.memory_space<hbm>>) dst(%dma_wait3A_114 : memref<64x128xf32, #tpu.memory_space<vmem>>)
    %dma_start3A_122 = arith.constant 4 : i32
    %dma_start3A_123 = arith.constant 256 : i32
    %dma_start3A_124 = arith.constant 0 : i32
    %dma_start3A_125 = tpu.memref_slice %arg8[%dma_start3A_123, %dma_start3A_124] : memref<512x128xf32, #tpu.memory_space<vmem>> -> memref<64x128xf32, #tpu.memory_space<vmem>>
    %dma_start3A_126 = arith.constant 256 : i32
    %dma_start3A_127 = tpu.memref_slice %arg6[%dma_start3A_126] : memref<512xi32, #tpu.memory_space<vmem>> -> memref<64xi32, #tpu.memory_space<vmem>>
    %dma_start3A_128 = arith.constant 0 : i32
    %dma_start3A_129 = arith.constant 0 : i32
    %dma_start3A_130 = tpu.memref_slice %arg4[%dma_start3A_128, %dma_start3A_129] : memref<100001x128xf32, #tpu.memory_space<hbm>> -> memref<100001x128xf32, #tpu.memory_space<hbm>>
    %dma_start3A_131 = tpu.memref_slice %arg10[%dma_start3A_122] : memref<8x!tpu.dma_semaphore, #tpu.memory_space<semaphore_mem>> -> memref<1x!tpu.dma_semaphore, #tpu.memory_space<semaphore_mem>>
    %dma_start3A_132 = tpu.memref_squeeze %dma_start3A_131 : memref<1x!tpu.dma_semaphore, #tpu.memory_space<semaphore_mem>> -> memref<!tpu.dma_semaphore, #tpu.memory_space<semaphore_mem>>
    tpu.enqueue_indirect_dma source(%dma_start3A_130 : memref<100001x128xf32, #tpu.memory_space<hbm>>) target(%dma_start3A_125 : memref<64x128xf32, #tpu.memory_space<vmem>>) offsets(%dma_start3A_127 : memref<64xi32, #tpu.memory_space<vmem>>) semaphore(%dma_start3A_132 : memref<!tpu.dma_semaphore, #tpu.memory_space<semaphore_mem>>)
    %scan3A_133 = arith.constant 64 : i32
    %scan3A_134 = arith.constant 64 : i32
    %scan3A_135 = arith.addi %scan3A_133, %scan3A_134 : i32
    %scan3A_136 = arith.constant 1 : i32
    scf.for %scan3A_431 = %scan3A_133 to %scan3A_135 step %scan3A_136  : i32 {
      %get3A_432 = arith.index_cast %scan3A_431 : i32 to index
      %get3A_433 = tpu.vector_load %arg7[%get3A_432] {strides = array<i32>} : memref<528xi32, #tpu.memory_space<vmem>>, vector<16xi32>,
      %get3A_434 = vector.shape_cast %get3A_433 : vector<16xi32> to vector<16xi32>
      %slice3A = vector.extract_strided_slice %get3A_434 {offsets = [0], sizes = [1], strides = [1]} : vector<16xi32> to vector<1xi32>
      %squeeze3A = vector.extract %slice3A[0] : i32 from vector<1xi32>
      %ne3A = arith.constant 0 : i32
      %ne3A_435 = arith.cmpi ne, %squeeze3A, %ne3A : i32
      %convert_element_type3A = arith.extui %ne3A_435 : i1 to i32
      %cond3A = arith.constant 0 : i32
      %cond3A_436 = arith.cmpi ne, %convert_element_type3A, %cond3A : i32
      scf.if %cond3A_436 {
        %swap3A = arith.index_cast %scan3A_431 : i32 to index
        %swap3A_437 = arith.constant 0 : index
        %swap3A_438 = tpu.vector_load %arg8[%swap3A, %swap3A_437] {strides = array<i32>} : memref<512x128xf32, #tpu.memory_space<vmem>>, vector<1x16xf32>,
        %swap3A_439 = vector.shape_cast %swap3A_438 : vector<1x16xf32> to vector<16xf32>
        %swap3A_440 = vector.shape_cast %get3A_38 : vector<16xf32> to vector<1x16xf32>
        tpu.vector_store %arg8[%swap3A, %swap3A_437], %swap3A_440 {strides = array<i32>} : memref<512x128xf32, #tpu.memory_space<vmem>>, vector<1x16xf32>,
        %swap3A_441 = arith.index_cast %scan3A_431 : i32 to index
        %swap3A_442 = arith.constant 16 : index
        %swap3A_443 = tpu.vector_load %arg8[%swap3A_441, %swap3A_442] {strides = array<i32>} : memref<512x128xf32, #tpu.memory_space<vmem>>, vector<1x16xf32>,
        %swap3A_444 = vector.shape_cast %swap3A_443 : vector<1x16xf32> to vector<16xf32>
        %swap3A_445 = vector.shape_cast %get3A_43 : vector<16xf32> to vector<1x16xf32>
        tpu.vector_store %arg8[%swap3A_441, %swap3A_442], %swap3A_445 {strides = array<i32>} : memref<512x128xf32, #tpu.memory_space<vmem>>, vector<1x16xf32>,
        %swap3A_446 = arith.index_cast %scan3A_431 : i32 to index
        %swap3A_447 = arith.constant 32 : index
        %swap3A_448 = tpu.vector_load %arg8[%swap3A_446, %swap3A_447] {strides = array<i32>} : memref<512x128xf32, #tpu.memory_space<vmem>>, vector<1x16xf32>,
        %swap3A_449 = vector.shape_cast %swap3A_448 : vector<1x16xf32> to vector<16xf32>
        %swap3A_450 = vector.shape_cast %get3A_48 : vector<16xf32> to vector<1x16xf32>
        tpu.vector_store %arg8[%swap3A_446, %swap3A_447], %swap3A_450 {strides = array<i32>} : memref<512x128xf32, #tpu.memory_space<vmem>>, vector<1x16xf32>,
        %swap3A_451 = arith.index_cast %scan3A_431 : i32 to index
        %swap3A_452 = arith.constant 48 : index
        %swap3A_453 = tpu.vector_load %arg8[%swap3A_451, %swap3A_452] {strides = array<i32>} : memref<512x128xf32, #tpu.memory_space<vmem>>, vector<1x16xf32>,
        %swap3A_454 = vector.shape_cast %swap3A_453 : vector<1x16xf32> to vector<16xf32>
        %swap3A_455 = vector.shape_cast %get3A_53 : vector<16xf32> to vector<1x16xf32>
        tpu.vector_store %arg8[%swap3A_451, %swap3A_452], %swap3A_455 {strides = array<i32>} : memref<512x128xf32, #tpu.memory_space<vmem>>, vector<1x16xf32>,
        %swap3A_456 = arith.index_cast %scan3A_431 : i32 to index
        %swap3A_457 = arith.constant 64 : index
        %swap3A_458 = tpu.vector_load %arg8[%swap3A_456, %swap3A_457] {strides = array<i32>} : memref<512x128xf32, #tpu.memory_space<vmem>>, vector<1x16xf32>,
        %swap3A_459 = vector.shape_cast %swap3A_458 : vector<1x16xf32> to vector<16xf32>
        %swap3A_460 = vector.shape_cast %get3A_58 : vector<16xf32> to vector<1x16xf32>
        tpu.vector_store %arg8[%swap3A_456, %swap3A_457], %swap3A_460 {strides = array<i32>} : memref<512x128xf32, #tpu.memory_space<vmem>>, vector<1x16xf32>,
        %swap3A_461 = arith.index_cast %scan3A_431 : i32 to index
        %swap3A_462 = arith.constant 80 : index
        %swap3A_463 = tpu.vector_load %arg8[%swap3A_461, %swap3A_462] {strides = array<i32>} : memref<512x128xf32, #tpu.memory_space<vmem>>, vector<1x16xf32>,
        %swap3A_464 = vector.shape_cast %swap3A_463 : vector<1x16xf32> to vector<16xf32>
        %swap3A_465 = vector.shape_cast %get3A_63 : vector<16xf32> to vector<1x16xf32>
        tpu.vector_store %arg8[%swap3A_461, %swap3A_462], %swap3A_465 {strides = array<i32>} : memref<512x128xf32, #tpu.memory_space<vmem>>, vector<1x16xf32>,
        %swap3A_466 = arith.index_cast %scan3A_431 : i32 to index
        %swap3A_467 = arith.constant 96 : index
        %swap3A_468 = tpu.vector_load %arg8[%swap3A_466, %swap3A_467] {strides = array<i32>} : memref<512x128xf32, #tpu.memory_space<vmem>>, vector<1x16xf32>,
        %swap3A_469 = vector.shape_cast %swap3A_468 : vector<1x16xf32> to vector<16xf32>
        %swap3A_470 = vector.shape_cast %get3A_68 : vector<16xf32> to vector<1x16xf32>
        tpu.vector_store %arg8[%swap3A_466, %swap3A_467], %swap3A_470 {strides = array<i32>} : memref<512x128xf32, #tpu.memory_space<vmem>>, vector<1x16xf32>,
        %swap3A_471 = arith.index_cast %scan3A_431 : i32 to index
        %swap3A_472 = arith.constant 112 : index
        %swap3A_473 = tpu.vector_load %arg8[%swap3A_471, %swap3A_472] {strides = array<i32>} : memref<512x128xf32, #tpu.memory_space<vmem>>, vector<1x16xf32>,
        %swap3A_474 = vector.shape_cast %swap3A_473 : vector<1x16xf32> to vector<16xf32>
        %swap3A_475 = vector.shape_cast %get3A_73 : vector<16xf32> to vector<1x16xf32>
        tpu.vector_store %arg8[%swap3A_471, %swap3A_472], %swap3A_475 {strides = array<i32>} : memref<512x128xf32, #tpu.memory_space<vmem>>, vector<1x16xf32>,
      } else {
      }
    }
    %scan3A_137 = arith.constant 64 : i32
    %add3A_138 = arith.constant 64 : i32
    %add3A_139 = arith.addi %mul3A_2, %add3A_138 : i32
    %dma_start3A_140 = arith.constant 64 : i32
    %dma_start3A_141 = arith.constant 0 : i32
    %dma_start3A_142 = tpu.memref_slice %arg8[%dma_start3A_140, %dma_start3A_141] : memref<512x128xf32, #tpu.memory_space<vmem>> -> memref<64x128xf32, #tpu.memory_space<vmem>>
    %dma_start3A_143 = arith.constant 0 : i32
    %dma_start3A_144 = tpu.memref_slice %arg5[%add3A_139, %dma_start3A_143] : memref<16384x128xf32, #tpu.memory_space<hbm>> -> memref<64x128xf32, #tpu.memory_space<hbm>>
    %dma_start3A_145 = arith.constant 0 : i32
    %dma_start3A_146 = tpu.memref_slice %arg5[%add3A_139, %dma_start3A_145] : memref<16384x128xf32, #tpu.memory_space<hbm>> -> memref<64x128xf32, #tpu.memory_space<hbm>>
    %dma_start3A_147 = arith.constant 64 : i32
    %dma_start3A_148 = arith.constant 0 : i32
    %dma_start3A_149 = tpu.memref_slice %arg8[%dma_start3A_147, %dma_start3A_148] : memref<512x128xf32, #tpu.memory_space<vmem>> -> memref<64x128xf32, #tpu.memory_space<vmem>>
    tpu.enqueue_dma source(%dma_start3A_149 : memref<64x128xf32, #tpu.memory_space<vmem>>) target(%dma_start3A_146 : memref<64x128xf32, #tpu.memory_space<hbm>>) target_semaphore(%arg11 : memref<!tpu.dma_semaphore, #tpu.memory_space<semaphore_mem>>)
    %dma_wait3A_150 = arith.constant 2 : i32
    %dma_wait3A_151 = arith.constant 128 : i32
    %dma_wait3A_152 = arith.constant 0 : i32
    %dma_wait3A_153 = tpu.memref_slice %arg8[%dma_wait3A_151, %dma_wait3A_152] : memref<512x128xf32, #tpu.memory_space<vmem>> -> memref<64x128xf32, #tpu.memory_space<vmem>>
    %dma_wait3A_154 = arith.constant 128 : i32
    %dma_wait3A_155 = tpu.memref_slice %arg6[%dma_wait3A_154] : memref<512xi32, #tpu.memory_space<vmem>> -> memref<64xi32, #tpu.memory_space<vmem>>
    %dma_wait3A_156 = arith.constant 0 : i32
    %dma_wait3A_157 = arith.constant 0 : i32
    %dma_wait3A_158 = tpu.memref_slice %arg4[%dma_wait3A_156, %dma_wait3A_157] : memref<100001x128xf32, #tpu.memory_space<hbm>> -> memref<100001x128xf32, #tpu.memory_space<hbm>>
    %dma_wait3A_159 = tpu.memref_slice %arg10[%dma_wait3A_150] : memref<8x!tpu.dma_semaphore, #tpu.memory_space<semaphore_mem>> -> memref<1x!tpu.dma_semaphore, #tpu.memory_space<semaphore_mem>>
    %dma_wait3A_160 = tpu.memref_squeeze %dma_wait3A_159 : memref<1x!tpu.dma_semaphore, #tpu.memory_space<semaphore_mem>> -> memref<!tpu.dma_semaphore, #tpu.memory_space<semaphore_mem>>
    tpu.wait_indirect_dma semaphore(%dma_wait3A_160 : memref<!tpu.dma_semaphore, #tpu.memory_space<semaphore_mem>>) src(%dma_wait3A_158 : memref<100001x128xf32, #tpu.memory_space<hbm>>) dst(%dma_wait3A_153 : memref<64x128xf32, #tpu.memory_space<vmem>>)
    %dma_start3A_161 = arith.constant 5 : i32
    %dma_start3A_162 = arith.constant 320 : i32
    %dma_start3A_163 = arith.constant 0 : i32
    %dma_start3A_164 = tpu.memref_slice %arg8[%dma_start3A_162, %dma_start3A_163] : memref<512x128xf32, #tpu.memory_space<vmem>> -> memref<64x128xf32, #tpu.memory_space<vmem>>
    %dma_start3A_165 = arith.constant 320 : i32
    %dma_start3A_166 = tpu.memref_slice %arg6[%dma_start3A_165] : memref<512xi32, #tpu.memory_space<vmem>> -> memref<64xi32, #tpu.memory_space<vmem>>
    %dma_start3A_167 = arith.constant 0 : i32
    %dma_start3A_168 = arith.constant 0 : i32
    %dma_start3A_169 = tpu.memref_slice %arg4[%dma_start3A_167, %dma_start3A_168] : memref<100001x128xf32, #tpu.memory_space<hbm>> -> memref<100001x128xf32, #tpu.memory_space<hbm>>
    %dma_start3A_170 = tpu.memref_slice %arg10[%dma_start3A_161] : memref<8x!tpu.dma_semaphore, #tpu.memory_space<semaphore_mem>> -> memref<1x!tpu.dma_semaphore, #tpu.memory_space<semaphore_mem>>
    %dma_start3A_171 = tpu.memref_squeeze %dma_start3A_170 : memref<1x!tpu.dma_semaphore, #tpu.memory_space<semaphore_mem>> -> memref<!tpu.dma_semaphore, #tpu.memory_space<semaphore_mem>>
    tpu.enqueue_indirect_dma source(%dma_start3A_169 : memref<100001x128xf32, #tpu.memory_space<hbm>>) target(%dma_start3A_164 : memref<64x128xf32, #tpu.memory_space<vmem>>) offsets(%dma_start3A_166 : memref<64xi32, #tpu.memory_space<vmem>>) semaphore(%dma_start3A_171 : memref<!tpu.dma_semaphore, #tpu.memory_space<semaphore_mem>>)
    %scan3A_172 = arith.constant 128 : i32
    %scan3A_173 = arith.constant 64 : i32
    %scan3A_174 = arith.addi %scan3A_172, %scan3A_173 : i32
    %scan3A_175 = arith.constant 1 : i32
    scf.for %scan3A_431 = %scan3A_172 to %scan3A_174 step %scan3A_175  : i32 {
      %get3A_432 = arith.index_cast %scan3A_431 : i32 to index
      %get3A_433 = tpu.vector_load %arg7[%get3A_432] {strides = array<i32>} : memref<528xi32, #tpu.memory_space<vmem>>, vector<16xi32>,
      %get3A_434 = vector.shape_cast %get3A_433 : vector<16xi32> to vector<16xi32>
      %slice3A = vector.extract_strided_slice %get3A_434 {offsets = [0], sizes = [1], strides = [1]} : vector<16xi32> to vector<1xi32>
      %squeeze3A = vector.extract %slice3A[0] : i32 from vector<1xi32>
      %ne3A = arith.constant 0 : i32
      %ne3A_435 = arith.cmpi ne, %squeeze3A, %ne3A : i32
      %convert_element_type3A = arith.extui %ne3A_435 : i1 to i32
      %cond3A = arith.constant 0 : i32
      %cond3A_436 = arith.cmpi ne, %convert_element_type3A, %cond3A : i32
      scf.if %cond3A_436 {
        %swap3A = arith.index_cast %scan3A_431 : i32 to index
        %swap3A_437 = arith.constant 0 : index
        %swap3A_438 = tpu.vector_load %arg8[%swap3A, %swap3A_437] {strides = array<i32>} : memref<512x128xf32, #tpu.memory_space<vmem>>, vector<1x16xf32>,
        %swap3A_439 = vector.shape_cast %swap3A_438 : vector<1x16xf32> to vector<16xf32>
        %swap3A_440 = vector.shape_cast %get3A_38 : vector<16xf32> to vector<1x16xf32>
        tpu.vector_store %arg8[%swap3A, %swap3A_437], %swap3A_440 {strides = array<i32>} : memref<512x128xf32, #tpu.memory_space<vmem>>, vector<1x16xf32>,
        %swap3A_441 = arith.index_cast %scan3A_431 : i32 to index
        %swap3A_442 = arith.constant 16 : index
        %swap3A_443 = tpu.vector_load %arg8[%swap3A_441, %swap3A_442] {strides = array<i32>} : memref<512x128xf32, #tpu.memory_space<vmem>>, vector<1x16xf32>,
        %swap3A_444 = vector.shape_cast %swap3A_443 : vector<1x16xf32> to vector<16xf32>
        %swap3A_445 = vector.shape_cast %get3A_43 : vector<16xf32> to vector<1x16xf32>
        tpu.vector_store %arg8[%swap3A_441, %swap3A_442], %swap3A_445 {strides = array<i32>} : memref<512x128xf32, #tpu.memory_space<vmem>>, vector<1x16xf32>,
        %swap3A_446 = arith.index_cast %scan3A_431 : i32 to index
        %swap3A_447 = arith.constant 32 : index
        %swap3A_448 = tpu.vector_load %arg8[%swap3A_446, %swap3A_447] {strides = array<i32>} : memref<512x128xf32, #tpu.memory_space<vmem>>, vector<1x16xf32>,
        %swap3A_449 = vector.shape_cast %swap3A_448 : vector<1x16xf32> to vector<16xf32>
        %swap3A_450 = vector.shape_cast %get3A_48 : vector<16xf32> to vector<1x16xf32>
        tpu.vector_store %arg8[%swap3A_446, %swap3A_447], %swap3A_450 {strides = array<i32>} : memref<512x128xf32, #tpu.memory_space<vmem>>, vector<1x16xf32>,
        %swap3A_451 = arith.index_cast %scan3A_431 : i32 to index
        %swap3A_452 = arith.constant 48 : index
        %swap3A_453 = tpu.vector_load %arg8[%swap3A_451, %swap3A_452] {strides = array<i32>} : memref<512x128xf32, #tpu.memory_space<vmem>>, vector<1x16xf32>,
        %swap3A_454 = vector.shape_cast %swap3A_453 : vector<1x16xf32> to vector<16xf32>
        %swap3A_455 = vector.shape_cast %get3A_53 : vector<16xf32> to vector<1x16xf32>
        tpu.vector_store %arg8[%swap3A_451, %swap3A_452], %swap3A_455 {strides = array<i32>} : memref<512x128xf32, #tpu.memory_space<vmem>>, vector<1x16xf32>,
        %swap3A_456 = arith.index_cast %scan3A_431 : i32 to index
        %swap3A_457 = arith.constant 64 : index
        %swap3A_458 = tpu.vector_load %arg8[%swap3A_456, %swap3A_457] {strides = array<i32>} : memref<512x128xf32, #tpu.memory_space<vmem>>, vector<1x16xf32>,
        %swap3A_459 = vector.shape_cast %swap3A_458 : vector<1x16xf32> to vector<16xf32>
        %swap3A_460 = vector.shape_cast %get3A_58 : vector<16xf32> to vector<1x16xf32>
        tpu.vector_store %arg8[%swap3A_456, %swap3A_457], %swap3A_460 {strides = array<i32>} : memref<512x128xf32, #tpu.memory_space<vmem>>, vector<1x16xf32>,
        %swap3A_461 = arith.index_cast %scan3A_431 : i32 to index
        %swap3A_462 = arith.constant 80 : index
        %swap3A_463 = tpu.vector_load %arg8[%swap3A_461, %swap3A_462] {strides = array<i32>} : memref<512x128xf32, #tpu.memory_space<vmem>>, vector<1x16xf32>,
        %swap3A_464 = vector.shape_cast %swap3A_463 : vector<1x16xf32> to vector<16xf32>
        %swap3A_465 = vector.shape_cast %get3A_63 : vector<16xf32> to vector<1x16xf32>
        tpu.vector_store %arg8[%swap3A_461, %swap3A_462], %swap3A_465 {strides = array<i32>} : memref<512x128xf32, #tpu.memory_space<vmem>>, vector<1x16xf32>,
        %swap3A_466 = arith.index_cast %scan3A_431 : i32 to index
        %swap3A_467 = arith.constant 96 : index
        %swap3A_468 = tpu.vector_load %arg8[%swap3A_466, %swap3A_467] {strides = array<i32>} : memref<512x128xf32, #tpu.memory_space<vmem>>, vector<1x16xf32>,
        %swap3A_469 = vector.shape_cast %swap3A_468 : vector<1x16xf32> to vector<16xf32>
        %swap3A_470 = vector.shape_cast %get3A_68 : vector<16xf32> to vector<1x16xf32>
        tpu.vector_store %arg8[%swap3A_466, %swap3A_467], %swap3A_470 {strides = array<i32>} : memref<512x128xf32, #tpu.memory_space<vmem>>, vector<1x16xf32>,
        %swap3A_471 = arith.index_cast %scan3A_431 : i32 to index
        %swap3A_472 = arith.constant 112 : index
        %swap3A_473 = tpu.vector_load %arg8[%swap3A_471, %swap3A_472] {strides = array<i32>} : memref<512x128xf32, #tpu.memory_space<vmem>>, vector<1x16xf32>,
        %swap3A_474 = vector.shape_cast %swap3A_473 : vector<1x16xf32> to vector<16xf32>
        %swap3A_475 = vector.shape_cast %get3A_73 : vector<16xf32> to vector<1x16xf32>
        tpu.vector_store %arg8[%swap3A_471, %swap3A_472], %swap3A_475 {strides = array<i32>} : memref<512x128xf32, #tpu.memory_space<vmem>>, vector<1x16xf32>,
      } else {
      }
    }
    %scan3A_176 = arith.constant 64 : i32
    %add3A_177 = arith.constant 128 : i32
    %add3A_178 = arith.addi %mul3A_2, %add3A_177 : i32
    %dma_start3A_179 = arith.constant 128 : i32
    %dma_start3A_180 = arith.constant 0 : i32
    %dma_start3A_181 = tpu.memref_slice %arg8[%dma_start3A_179, %dma_start3A_180] : memref<512x128xf32, #tpu.memory_space<vmem>> -> memref<64x128xf32, #tpu.memory_space<vmem>>
    %dma_start3A_182 = arith.constant 0 : i32
    %dma_start3A_183 = tpu.memref_slice %arg5[%add3A_178, %dma_start3A_182] : memref<16384x128xf32, #tpu.memory_space<hbm>> -> memref<64x128xf32, #tpu.memory_space<hbm>>
    %dma_start3A_184 = arith.constant 0 : i32
    %dma_start3A_185 = tpu.memref_slice %arg5[%add3A_178, %dma_start3A_184] : memref<16384x128xf32, #tpu.memory_space<hbm>> -> memref<64x128xf32, #tpu.memory_space<hbm>>
    %dma_start3A_186 = arith.constant 128 : i32
    %dma_start3A_187 = arith.constant 0 : i32
    %dma_start3A_188 = tpu.memref_slice %arg8[%dma_start3A_186, %dma_start3A_187] : memref<512x128xf32, #tpu.memory_space<vmem>> -> memref<64x128xf32, #tpu.memory_space<vmem>>
    tpu.enqueue_dma source(%dma_start3A_188 : memref<64x128xf32, #tpu.memory_space<vmem>>) target(%dma_start3A_185 : memref<64x128xf32, #tpu.memory_space<hbm>>) target_semaphore(%arg11 : memref<!tpu.dma_semaphore, #tpu.memory_space<semaphore_mem>>)
    %dma_wait3A_189 = arith.constant 3 : i32
    %dma_wait3A_190 = arith.constant 192 : i32
    %dma_wait3A_191 = arith.constant 0 : i32
    %dma_wait3A_192 = tpu.memref_slice %arg8[%dma_wait3A_190, %dma_wait3A_191] : memref<512x128xf32, #tpu.memory_space<vmem>> -> memref<64x128xf32, #tpu.memory_space<vmem>>
    %dma_wait3A_193 = arith.constant 192 : i32
    %dma_wait3A_194 = tpu.memref_slice %arg6[%dma_wait3A_193] : memref<512xi32, #tpu.memory_space<vmem>> -> memref<64xi32, #tpu.memory_space<vmem>>
    %dma_wait3A_195 = arith.constant 0 : i32
    %dma_wait3A_196 = arith.constant 0 : i32
    %dma_wait3A_197 = tpu.memref_slice %arg4[%dma_wait3A_195, %dma_wait3A_196] : memref<100001x128xf32, #tpu.memory_space<hbm>> -> memref<100001x128xf32, #tpu.memory_space<hbm>>
    %dma_wait3A_198 = tpu.memref_slice %arg10[%dma_wait3A_189] : memref<8x!tpu.dma_semaphore, #tpu.memory_space<semaphore_mem>> -> memref<1x!tpu.dma_semaphore, #tpu.memory_space<semaphore_mem>>
    %dma_wait3A_199 = tpu.memref_squeeze %dma_wait3A_198 : memref<1x!tpu.dma_semaphore, #tpu.memory_space<semaphore_mem>> -> memref<!tpu.dma_semaphore, #tpu.memory_space<semaphore_mem>>
    tpu.wait_indirect_dma semaphore(%dma_wait3A_199 : memref<!tpu.dma_semaphore, #tpu.memory_space<semaphore_mem>>) src(%dma_wait3A_197 : memref<100001x128xf32, #tpu.memory_space<hbm>>) dst(%dma_wait3A_192 : memref<64x128xf32, #tpu.memory_space<vmem>>)
    %dma_start3A_200 = arith.constant 6 : i32
    %dma_start3A_201 = arith.constant 384 : i32
    %dma_start3A_202 = arith.constant 0 : i32
    %dma_start3A_203 = tpu.memref_slice %arg8[%dma_start3A_201, %dma_start3A_202] : memref<512x128xf32, #tpu.memory_space<vmem>> -> memref<64x128xf32, #tpu.memory_space<vmem>>
    %dma_start3A_204 = arith.constant 384 : i32
    %dma_start3A_205 = tpu.memref_slice %arg6[%dma_start3A_204] : memref<512xi32, #tpu.memory_space<vmem>> -> memref<64xi32, #tpu.memory_space<vmem>>
    %dma_start3A_206 = arith.constant 0 : i32
    %dma_start3A_207 = arith.constant 0 : i32
    %dma_start3A_208 = tpu.memref_slice %arg4[%dma_start3A_206, %dma_start3A_207] : memref<100001x128xf32, #tpu.memory_space<hbm>> -> memref<100001x128xf32, #tpu.memory_space<hbm>>
    %dma_start3A_209 = tpu.memref_slice %arg10[%dma_start3A_200] : memref<8x!tpu.dma_semaphore, #tpu.memory_space<semaphore_mem>> -> memref<1x!tpu.dma_semaphore, #tpu.memory_space<semaphore_mem>>
    %dma_start3A_210 = tpu.memref_squeeze %dma_start3A_209 : memref<1x!tpu.dma_semaphore, #tpu.memory_space<semaphore_mem>> -> memref<!tpu.dma_semaphore, #tpu.memory_space<semaphore_mem>>
    tpu.enqueue_indirect_dma source(%dma_start3A_208 : memref<100001x128xf32, #tpu.memory_space<hbm>>) target(%dma_start3A_203 : memref<64x128xf32, #tpu.memory_space<vmem>>) offsets(%dma_start3A_205 : memref<64xi32, #tpu.memory_space<vmem>>) semaphore(%dma_start3A_210 : memref<!tpu.dma_semaphore, #tpu.memory_space<semaphore_mem>>)
    %scan3A_211 = arith.constant 192 : i32
    %scan3A_212 = arith.constant 64 : i32
    %scan3A_213 = arith.addi %scan3A_211, %scan3A_212 : i32
    %scan3A_214 = arith.constant 1 : i32
    scf.for %scan3A_431 = %scan3A_211 to %scan3A_213 step %scan3A_214  : i32 {
      %get3A_432 = arith.index_cast %scan3A_431 : i32 to index
      %get3A_433 = tpu.vector_load %arg7[%get3A_432] {strides = array<i32>} : memref<528xi32, #tpu.memory_space<vmem>>, vector<16xi32>,
      %get3A_434 = vector.shape_cast %get3A_433 : vector<16xi32> to vector<16xi32>
      %slice3A = vector.extract_strided_slice %get3A_434 {offsets = [0], sizes = [1], strides = [1]} : vector<16xi32> to vector<1xi32>
      %squeeze3A = vector.extract %slice3A[0] : i32 from vector<1xi32>
      %ne3A = arith.constant 0 : i32
      %ne3A_435 = arith.cmpi ne, %squeeze3A, %ne3A : i32
      %convert_element_type3A = arith.extui %ne3A_435 : i1 to i32
      %cond3A = arith.constant 0 : i32
      %cond3A_436 = arith.cmpi ne, %convert_element_type3A, %cond3A : i32
      scf.if %cond3A_436 {
        %swap3A = arith.index_cast %scan3A_431 : i32 to index
        %swap3A_437 = arith.constant 0 : index
        %swap3A_438 = tpu.vector_load %arg8[%swap3A, %swap3A_437] {strides = array<i32>} : memref<512x128xf32, #tpu.memory_space<vmem>>, vector<1x16xf32>,
        %swap3A_439 = vector.shape_cast %swap3A_438 : vector<1x16xf32> to vector<16xf32>
        %swap3A_440 = vector.shape_cast %get3A_38 : vector<16xf32> to vector<1x16xf32>
        tpu.vector_store %arg8[%swap3A, %swap3A_437], %swap3A_440 {strides = array<i32>} : memref<512x128xf32, #tpu.memory_space<vmem>>, vector<1x16xf32>,
        %swap3A_441 = arith.index_cast %scan3A_431 : i32 to index
        %swap3A_442 = arith.constant 16 : index
        %swap3A_443 = tpu.vector_load %arg8[%swap3A_441, %swap3A_442] {strides = array<i32>} : memref<512x128xf32, #tpu.memory_space<vmem>>, vector<1x16xf32>,
        %swap3A_444 = vector.shape_cast %swap3A_443 : vector<1x16xf32> to vector<16xf32>
        %swap3A_445 = vector.shape_cast %get3A_43 : vector<16xf32> to vector<1x16xf32>
        tpu.vector_store %arg8[%swap3A_441, %swap3A_442], %swap3A_445 {strides = array<i32>} : memref<512x128xf32, #tpu.memory_space<vmem>>, vector<1x16xf32>,
        %swap3A_446 = arith.index_cast %scan3A_431 : i32 to index
        %swap3A_447 = arith.constant 32 : index
        %swap3A_448 = tpu.vector_load %arg8[%swap3A_446, %swap3A_447] {strides = array<i32>} : memref<512x128xf32, #tpu.memory_space<vmem>>, vector<1x16xf32>,
        %swap3A_449 = vector.shape_cast %swap3A_448 : vector<1x16xf32> to vector<16xf32>
        %swap3A_450 = vector.shape_cast %get3A_48 : vector<16xf32> to vector<1x16xf32>
        tpu.vector_store %arg8[%swap3A_446, %swap3A_447], %swap3A_450 {strides = array<i32>} : memref<512x128xf32, #tpu.memory_space<vmem>>, vector<1x16xf32>,
        %swap3A_451 = arith.index_cast %scan3A_431 : i32 to index
        %swap3A_452 = arith.constant 48 : index
        %swap3A_453 = tpu.vector_load %arg8[%swap3A_451, %swap3A_452] {strides = array<i32>} : memref<512x128xf32, #tpu.memory_space<vmem>>, vector<1x16xf32>,
        %swap3A_454 = vector.shape_cast %swap3A_453 : vector<1x16xf32> to vector<16xf32>
        %swap3A_455 = vector.shape_cast %get3A_53 : vector<16xf32> to vector<1x16xf32>
        tpu.vector_store %arg8[%swap3A_451, %swap3A_452], %swap3A_455 {strides = array<i32>} : memref<512x128xf32, #tpu.memory_space<vmem>>, vector<1x16xf32>,
        %swap3A_456 = arith.index_cast %scan3A_431 : i32 to index
        %swap3A_457 = arith.constant 64 : index
        %swap3A_458 = tpu.vector_load %arg8[%swap3A_456, %swap3A_457] {strides = array<i32>} : memref<512x128xf32, #tpu.memory_space<vmem>>, vector<1x16xf32>,
        %swap3A_459 = vector.shape_cast %swap3A_458 : vector<1x16xf32> to vector<16xf32>
        %swap3A_460 = vector.shape_cast %get3A_58 : vector<16xf32> to vector<1x16xf32>
        tpu.vector_store %arg8[%swap3A_456, %swap3A_457], %swap3A_460 {strides = array<i32>} : memref<512x128xf32, #tpu.memory_space<vmem>>, vector<1x16xf32>,
        %swap3A_461 = arith.index_cast %scan3A_431 : i32 to index
        %swap3A_462 = arith.constant 80 : index
        %swap3A_463 = tpu.vector_load %arg8[%swap3A_461, %swap3A_462] {strides = array<i32>} : memref<512x128xf32, #tpu.memory_space<vmem>>, vector<1x16xf32>,
        %swap3A_464 = vector.shape_cast %swap3A_463 : vector<1x16xf32> to vector<16xf32>
        %swap3A_465 = vector.shape_cast %get3A_63 : vector<16xf32> to vector<1x16xf32>
        tpu.vector_store %arg8[%swap3A_461, %swap3A_462], %swap3A_465 {strides = array<i32>} : memref<512x128xf32, #tpu.memory_space<vmem>>, vector<1x16xf32>,
        %swap3A_466 = arith.index_cast %scan3A_431 : i32 to index
        %swap3A_467 = arith.constant 96 : index
        %swap3A_468 = tpu.vector_load %arg8[%swap3A_466, %swap3A_467] {strides = array<i32>} : memref<512x128xf32, #tpu.memory_space<vmem>>, vector<1x16xf32>,
        %swap3A_469 = vector.shape_cast %swap3A_468 : vector<1x16xf32> to vector<16xf32>
        %swap3A_470 = vector.shape_cast %get3A_68 : vector<16xf32> to vector<1x16xf32>
        tpu.vector_store %arg8[%swap3A_466, %swap3A_467], %swap3A_470 {strides = array<i32>} : memref<512x128xf32, #tpu.memory_space<vmem>>, vector<1x16xf32>,
        %swap3A_471 = arith.index_cast %scan3A_431 : i32 to index
        %swap3A_472 = arith.constant 112 : index
        %swap3A_473 = tpu.vector_load %arg8[%swap3A_471, %swap3A_472] {strides = array<i32>} : memref<512x128xf32, #tpu.memory_space<vmem>>, vector<1x16xf32>,
        %swap3A_474 = vector.shape_cast %swap3A_473 : vector<1x16xf32> to vector<16xf32>
        %swap3A_475 = vector.shape_cast %get3A_73 : vector<16xf32> to vector<1x16xf32>
        tpu.vector_store %arg8[%swap3A_471, %swap3A_472], %swap3A_475 {strides = array<i32>} : memref<512x128xf32, #tpu.memory_space<vmem>>, vector<1x16xf32>,
      } else {
      }
    }
    %scan3A_215 = arith.constant 64 : i32
    %add3A_216 = arith.constant 192 : i32
    %add3A_217 = arith.addi %mul3A_2, %add3A_216 : i32
    %dma_start3A_218 = arith.constant 192 : i32
    %dma_start3A_219 = arith.constant 0 : i32
    %dma_start3A_220 = tpu.memref_slice %arg8[%dma_start3A_218, %dma_start3A_219] : memref<512x128xf32, #tpu.memory_space<vmem>> -> memref<64x128xf32, #tpu.memory_space<vmem>>
    %dma_start3A_221 = arith.constant 0 : i32
    %dma_start3A_222 = tpu.memref_slice %arg5[%add3A_217, %dma_start3A_221] : memref<16384x128xf32, #tpu.memory_space<hbm>> -> memref<64x128xf32, #tpu.memory_space<hbm>>
    %dma_start3A_223 = arith.constant 0 : i32
    %dma_start3A_224 = tpu.memref_slice %arg5[%add3A_217, %dma_start3A_223] : memref<16384x128xf32, #tpu.memory_space<hbm>> -> memref<64x128xf32, #tpu.memory_space<hbm>>
    %dma_start3A_225 = arith.constant 192 : i32
    %dma_start3A_226 = arith.constant 0 : i32
    %dma_start3A_227 = tpu.memref_slice %arg8[%dma_start3A_225, %dma_start3A_226] : memref<512x128xf32, #tpu.memory_space<vmem>> -> memref<64x128xf32, #tpu.memory_space<vmem>>
    tpu.enqueue_dma source(%dma_start3A_227 : memref<64x128xf32, #tpu.memory_space<vmem>>) target(%dma_start3A_224 : memref<64x128xf32, #tpu.memory_space<hbm>>) target_semaphore(%arg11 : memref<!tpu.dma_semaphore, #tpu.memory_space<semaphore_mem>>)
    %dma_wait3A_228 = arith.constant 4 : i32
    %dma_wait3A_229 = arith.constant 256 : i32
    %dma_wait3A_230 = arith.constant 0 : i32
    %dma_wait3A_231 = tpu.memref_slice %arg8[%dma_wait3A_229, %dma_wait3A_230] : memref<512x128xf32, #tpu.memory_space<vmem>> -> memref<64x128xf32, #tpu.memory_space<vmem>>
    %dma_wait3A_232 = arith.constant 256 : i32
    %dma_wait3A_233 = tpu.memref_slice %arg6[%dma_wait3A_232] : memref<512xi32, #tpu.memory_space<vmem>> -> memref<64xi32, #tpu.memory_space<vmem>>
    %dma_wait3A_234 = arith.constant 0 : i32
    %dma_wait3A_235 = arith.constant 0 : i32
    %dma_wait3A_236 = tpu.memref_slice %arg4[%dma_wait3A_234, %dma_wait3A_235] : memref<100001x128xf32, #tpu.memory_space<hbm>> -> memref<100001x128xf32, #tpu.memory_space<hbm>>
    %dma_wait3A_237 = tpu.memref_slice %arg10[%dma_wait3A_228] : memref<8x!tpu.dma_semaphore, #tpu.memory_space<semaphore_mem>> -> memref<1x!tpu.dma_semaphore, #tpu.memory_space<semaphore_mem>>
    %dma_wait3A_238 = tpu.memref_squeeze %dma_wait3A_237 : memref<1x!tpu.dma_semaphore, #tpu.memory_space<semaphore_mem>> -> memref<!tpu.dma_semaphore, #tpu.memory_space<semaphore_mem>>
    tpu.wait_indirect_dma semaphore(%dma_wait3A_238 : memref<!tpu.dma_semaphore, #tpu.memory_space<semaphore_mem>>) src(%dma_wait3A_236 : memref<100001x128xf32, #tpu.memory_space<hbm>>) dst(%dma_wait3A_231 : memref<64x128xf32, #tpu.memory_space<vmem>>)
    %dma_start3A_239 = arith.constant 7 : i32
    %dma_start3A_240 = arith.constant 448 : i32
    %dma_start3A_241 = arith.constant 0 : i32
    %dma_start3A_242 = tpu.memref_slice %arg8[%dma_start3A_240, %dma_start3A_241] : memref<512x128xf32, #tpu.memory_space<vmem>> -> memref<64x128xf32, #tpu.memory_space<vmem>>
    %dma_start3A_243 = arith.constant 448 : i32
    %dma_start3A_244 = tpu.memref_slice %arg6[%dma_start3A_243] : memref<512xi32, #tpu.memory_space<vmem>> -> memref<64xi32, #tpu.memory_space<vmem>>
    %dma_start3A_245 = arith.constant 0 : i32
    %dma_start3A_246 = arith.constant 0 : i32
    %dma_start3A_247 = tpu.memref_slice %arg4[%dma_start3A_245, %dma_start3A_246] : memref<100001x128xf32, #tpu.memory_space<hbm>> -> memref<100001x128xf32, #tpu.memory_space<hbm>>
    %dma_start3A_248 = tpu.memref_slice %arg10[%dma_start3A_239] : memref<8x!tpu.dma_semaphore, #tpu.memory_space<semaphore_mem>> -> memref<1x!tpu.dma_semaphore, #tpu.memory_space<semaphore_mem>>
    %dma_start3A_249 = tpu.memref_squeeze %dma_start3A_248 : memref<1x!tpu.dma_semaphore, #tpu.memory_space<semaphore_mem>> -> memref<!tpu.dma_semaphore, #tpu.memory_space<semaphore_mem>>
    tpu.enqueue_indirect_dma source(%dma_start3A_247 : memref<100001x128xf32, #tpu.memory_space<hbm>>) target(%dma_start3A_242 : memref<64x128xf32, #tpu.memory_space<vmem>>) offsets(%dma_start3A_244 : memref<64xi32, #tpu.memory_space<vmem>>) semaphore(%dma_start3A_249 : memref<!tpu.dma_semaphore, #tpu.memory_space<semaphore_mem>>)
    %scan3A_250 = arith.constant 256 : i32
    %scan3A_251 = arith.constant 64 : i32
    %scan3A_252 = arith.addi %scan3A_250, %scan3A_251 : i32
    %scan3A_253 = arith.constant 1 : i32
    scf.for %scan3A_431 = %scan3A_250 to %scan3A_252 step %scan3A_253  : i32 {
      %get3A_432 = arith.index_cast %scan3A_431 : i32 to index
      %get3A_433 = tpu.vector_load %arg7[%get3A_432] {strides = array<i32>} : memref<528xi32, #tpu.memory_space<vmem>>, vector<16xi32>,
      %get3A_434 = vector.shape_cast %get3A_433 : vector<16xi32> to vector<16xi32>
      %slice3A = vector.extract_strided_slice %get3A_434 {offsets = [0], sizes = [1], strides = [1]} : vector<16xi32> to vector<1xi32>
      %squeeze3A = vector.extract %slice3A[0] : i32 from vector<1xi32>
      %ne3A = arith.constant 0 : i32
      %ne3A_435 = arith.cmpi ne, %squeeze3A, %ne3A : i32
      %convert_element_type3A = arith.extui %ne3A_435 : i1 to i32
      %cond3A = arith.constant 0 : i32
      %cond3A_436 = arith.cmpi ne, %convert_element_type3A, %cond3A : i32
      scf.if %cond3A_436 {
        %swap3A = arith.index_cast %scan3A_431 : i32 to index
        %swap3A_437 = arith.constant 0 : index
        %swap3A_438 = tpu.vector_load %arg8[%swap3A, %swap3A_437] {strides = array<i32>} : memref<512x128xf32, #tpu.memory_space<vmem>>, vector<1x16xf32>,
        %swap3A_439 = vector.shape_cast %swap3A_438 : vector<1x16xf32> to vector<16xf32>
        %swap3A_440 = vector.shape_cast %get3A_38 : vector<16xf32> to vector<1x16xf32>
        tpu.vector_store %arg8[%swap3A, %swap3A_437], %swap3A_440 {strides = array<i32>} : memref<512x128xf32, #tpu.memory_space<vmem>>, vector<1x16xf32>,
        %swap3A_441 = arith.index_cast %scan3A_431 : i32 to index
        %swap3A_442 = arith.constant 16 : index
        %swap3A_443 = tpu.vector_load %arg8[%swap3A_441, %swap3A_442] {strides = array<i32>} : memref<512x128xf32, #tpu.memory_space<vmem>>, vector<1x16xf32>,
        %swap3A_444 = vector.shape_cast %swap3A_443 : vector<1x16xf32> to vector<16xf32>
        %swap3A_445 = vector.shape_cast %get3A_43 : vector<16xf32> to vector<1x16xf32>
        tpu.vector_store %arg8[%swap3A_441, %swap3A_442], %swap3A_445 {strides = array<i32>} : memref<512x128xf32, #tpu.memory_space<vmem>>, vector<1x16xf32>,
        %swap3A_446 = arith.index_cast %scan3A_431 : i32 to index
        %swap3A_447 = arith.constant 32 : index
        %swap3A_448 = tpu.vector_load %arg8[%swap3A_446, %swap3A_447] {strides = array<i32>} : memref<512x128xf32, #tpu.memory_space<vmem>>, vector<1x16xf32>,
        %swap3A_449 = vector.shape_cast %swap3A_448 : vector<1x16xf32> to vector<16xf32>
        %swap3A_450 = vector.shape_cast %get3A_48 : vector<16xf32> to vector<1x16xf32>
        tpu.vector_store %arg8[%swap3A_446, %swap3A_447], %swap3A_450 {strides = array<i32>} : memref<512x128xf32, #tpu.memory_space<vmem>>, vector<1x16xf32>,
        %swap3A_451 = arith.index_cast %scan3A_431 : i32 to index
        %swap3A_452 = arith.constant 48 : index
        %swap3A_453 = tpu.vector_load %arg8[%swap3A_451, %swap3A_452] {strides = array<i32>} : memref<512x128xf32, #tpu.memory_space<vmem>>, vector<1x16xf32>,
        %swap3A_454 = vector.shape_cast %swap3A_453 : vector<1x16xf32> to vector<16xf32>
        %swap3A_455 = vector.shape_cast %get3A_53 : vector<16xf32> to vector<1x16xf32>
        tpu.vector_store %arg8[%swap3A_451, %swap3A_452], %swap3A_455 {strides = array<i32>} : memref<512x128xf32, #tpu.memory_space<vmem>>, vector<1x16xf32>,
        %swap3A_456 = arith.index_cast %scan3A_431 : i32 to index
        %swap3A_457 = arith.constant 64 : index
        %swap3A_458 = tpu.vector_load %arg8[%swap3A_456, %swap3A_457] {strides = array<i32>} : memref<512x128xf32, #tpu.memory_space<vmem>>, vector<1x16xf32>,
        %swap3A_459 = vector.shape_cast %swap3A_458 : vector<1x16xf32> to vector<16xf32>
        %swap3A_460 = vector.shape_cast %get3A_58 : vector<16xf32> to vector<1x16xf32>
        tpu.vector_store %arg8[%swap3A_456, %swap3A_457], %swap3A_460 {strides = array<i32>} : memref<512x128xf32, #tpu.memory_space<vmem>>, vector<1x16xf32>,
        %swap3A_461 = arith.index_cast %scan3A_431 : i32 to index
        %swap3A_462 = arith.constant 80 : index
        %swap3A_463 = tpu.vector_load %arg8[%swap3A_461, %swap3A_462] {strides = array<i32>} : memref<512x128xf32, #tpu.memory_space<vmem>>, vector<1x16xf32>,
        %swap3A_464 = vector.shape_cast %swap3A_463 : vector<1x16xf32> to vector<16xf32>
        %swap3A_465 = vector.shape_cast %get3A_63 : vector<16xf32> to vector<1x16xf32>
        tpu.vector_store %arg8[%swap3A_461, %swap3A_462], %swap3A_465 {strides = array<i32>} : memref<512x128xf32, #tpu.memory_space<vmem>>, vector<1x16xf32>,
        %swap3A_466 = arith.index_cast %scan3A_431 : i32 to index
        %swap3A_467 = arith.constant 96 : index
        %swap3A_468 = tpu.vector_load %arg8[%swap3A_466, %swap3A_467] {strides = array<i32>} : memref<512x128xf32, #tpu.memory_space<vmem>>, vector<1x16xf32>,
        %swap3A_469 = vector.shape_cast %swap3A_468 : vector<1x16xf32> to vector<16xf32>
        %swap3A_470 = vector.shape_cast %get3A_68 : vector<16xf32> to vector<1x16xf32>
        tpu.vector_store %arg8[%swap3A_466, %swap3A_467], %swap3A_470 {strides = array<i32>} : memref<512x128xf32, #tpu.memory_space<vmem>>, vector<1x16xf32>,
        %swap3A_471 = arith.index_cast %scan3A_431 : i32 to index
        %swap3A_472 = arith.constant 112 : index
        %swap3A_473 = tpu.vector_load %arg8[%swap3A_471, %swap3A_472] {strides = array<i32>} : memref<512x128xf32, #tpu.memory_space<vmem>>, vector<1x16xf32>,
        %swap3A_474 = vector.shape_cast %swap3A_473 : vector<1x16xf32> to vector<16xf32>
        %swap3A_475 = vector.shape_cast %get3A_73 : vector<16xf32> to vector<1x16xf32>
        tpu.vector_store %arg8[%swap3A_471, %swap3A_472], %swap3A_475 {strides = array<i32>} : memref<512x128xf32, #tpu.memory_space<vmem>>, vector<1x16xf32>,
      } else {
      }
    }
    %scan3A_254 = arith.constant 64 : i32
    %add3A_255 = arith.constant 256 : i32
    %add3A_256 = arith.addi %mul3A_2, %add3A_255 : i32
    %dma_start3A_257 = arith.constant 256 : i32
    %dma_start3A_258 = arith.constant 0 : i32
    %dma_start3A_259 = tpu.memref_slice %arg8[%dma_start3A_257, %dma_start3A_258] : memref<512x128xf32, #tpu.memory_space<vmem>> -> memref<64x128xf32, #tpu.memory_space<vmem>>
    %dma_start3A_260 = arith.constant 0 : i32
    %dma_start3A_261 = tpu.memref_slice %arg5[%add3A_256, %dma_start3A_260] : memref<16384x128xf32, #tpu.memory_space<hbm>> -> memref<64x128xf32, #tpu.memory_space<hbm>>
    %dma_start3A_262 = arith.constant 0 : i32
    %dma_start3A_263 = tpu.memref_slice %arg5[%add3A_256, %dma_start3A_262] : memref<16384x128xf32, #tpu.memory_space<hbm>> -> memref<64x128xf32, #tpu.memory_space<hbm>>
    %dma_start3A_264 = arith.constant 256 : i32
    %dma_start3A_265 = arith.constant 0 : i32
    %dma_start3A_266 = tpu.memref_slice %arg8[%dma_start3A_264, %dma_start3A_265] : memref<512x128xf32, #tpu.memory_space<vmem>> -> memref<64x128xf32, #tpu.memory_space<vmem>>
    tpu.enqueue_dma source(%dma_start3A_266 : memref<64x128xf32, #tpu.memory_space<vmem>>) target(%dma_start3A_263 : memref<64x128xf32, #tpu.memory_space<hbm>>) target_semaphore(%arg11 : memref<!tpu.dma_semaphore, #tpu.memory_space<semaphore_mem>>)
    %dma_wait3A_267 = arith.constant 5 : i32
    %dma_wait3A_268 = arith.constant 320 : i32
    %dma_wait3A_269 = arith.constant 0 : i32
    %dma_wait3A_270 = tpu.memref_slice %arg8[%dma_wait3A_268, %dma_wait3A_269] : memref<512x128xf32, #tpu.memory_space<vmem>> -> memref<64x128xf32, #tpu.memory_space<vmem>>
    %dma_wait3A_271 = arith.constant 320 : i32
    %dma_wait3A_272 = tpu.memref_slice %arg6[%dma_wait3A_271] : memref<512xi32, #tpu.memory_space<vmem>> -> memref<64xi32, #tpu.memory_space<vmem>>
    %dma_wait3A_273 = arith.constant 0 : i32
    %dma_wait3A_274 = arith.constant 0 : i32
    %dma_wait3A_275 = tpu.memref_slice %arg4[%dma_wait3A_273, %dma_wait3A_274] : memref<100001x128xf32, #tpu.memory_space<hbm>> -> memref<100001x128xf32, #tpu.memory_space<hbm>>
    %dma_wait3A_276 = tpu.memref_slice %arg10[%dma_wait3A_267] : memref<8x!tpu.dma_semaphore, #tpu.memory_space<semaphore_mem>> -> memref<1x!tpu.dma_semaphore, #tpu.memory_space<semaphore_mem>>
    %dma_wait3A_277 = tpu.memref_squeeze %dma_wait3A_276 : memref<1x!tpu.dma_semaphore, #tpu.memory_space<semaphore_mem>> -> memref<!tpu.dma_semaphore, #tpu.memory_space<semaphore_mem>>
    tpu.wait_indirect_dma semaphore(%dma_wait3A_277 : memref<!tpu.dma_semaphore, #tpu.memory_space<semaphore_mem>>) src(%dma_wait3A_275 : memref<100001x128xf32, #tpu.memory_space<hbm>>) dst(%dma_wait3A_270 : memref<64x128xf32, #tpu.memory_space<vmem>>)
    %scan3A_278 = arith.constant 320 : i32
    %scan3A_279 = arith.constant 64 : i32
    %scan3A_280 = arith.addi %scan3A_278, %scan3A_279 : i32
    %scan3A_281 = arith.constant 1 : i32
    scf.for %scan3A_431 = %scan3A_278 to %scan3A_280 step %scan3A_281  : i32 {
      %get3A_432 = arith.index_cast %scan3A_431 : i32 to index
      %get3A_433 = tpu.vector_load %arg7[%get3A_432] {strides = array<i32>} : memref<528xi32, #tpu.memory_space<vmem>>, vector<16xi32>,
      %get3A_434 = vector.shape_cast %get3A_433 : vector<16xi32> to vector<16xi32>
      %slice3A = vector.extract_strided_slice %get3A_434 {offsets = [0], sizes = [1], strides = [1]} : vector<16xi32> to vector<1xi32>
      %squeeze3A = vector.extract %slice3A[0] : i32 from vector<1xi32>
      %ne3A = arith.constant 0 : i32
      %ne3A_435 = arith.cmpi ne, %squeeze3A, %ne3A : i32
      %convert_element_type3A = arith.extui %ne3A_435 : i1 to i32
      %cond3A = arith.constant 0 : i32
      %cond3A_436 = arith.cmpi ne, %convert_element_type3A, %cond3A : i32
      scf.if %cond3A_436 {
        %swap3A = arith.index_cast %scan3A_431 : i32 to index
        %swap3A_437 = arith.constant 0 : index
        %swap3A_438 = tpu.vector_load %arg8[%swap3A, %swap3A_437] {strides = array<i32>} : memref<512x128xf32, #tpu.memory_space<vmem>>, vector<1x16xf32>,
        %swap3A_439 = vector.shape_cast %swap3A_438 : vector<1x16xf32> to vector<16xf32>
        %swap3A_440 = vector.shape_cast %get3A_38 : vector<16xf32> to vector<1x16xf32>
        tpu.vector_store %arg8[%swap3A, %swap3A_437], %swap3A_440 {strides = array<i32>} : memref<512x128xf32, #tpu.memory_space<vmem>>, vector<1x16xf32>,
        %swap3A_441 = arith.index_cast %scan3A_431 : i32 to index
        %swap3A_442 = arith.constant 16 : index
        %swap3A_443 = tpu.vector_load %arg8[%swap3A_441, %swap3A_442] {strides = array<i32>} : memref<512x128xf32, #tpu.memory_space<vmem>>, vector<1x16xf32>,
        %swap3A_444 = vector.shape_cast %swap3A_443 : vector<1x16xf32> to vector<16xf32>
        %swap3A_445 = vector.shape_cast %get3A_43 : vector<16xf32> to vector<1x16xf32>
        tpu.vector_store %arg8[%swap3A_441, %swap3A_442], %swap3A_445 {strides = array<i32>} : memref<512x128xf32, #tpu.memory_space<vmem>>, vector<1x16xf32>,
        %swap3A_446 = arith.index_cast %scan3A_431 : i32 to index
        %swap3A_447 = arith.constant 32 : index
        %swap3A_448 = tpu.vector_load %arg8[%swap3A_446, %swap3A_447] {strides = array<i32>} : memref<512x128xf32, #tpu.memory_space<vmem>>, vector<1x16xf32>,
        %swap3A_449 = vector.shape_cast %swap3A_448 : vector<1x16xf32> to vector<16xf32>
        %swap3A_450 = vector.shape_cast %get3A_48 : vector<16xf32> to vector<1x16xf32>
        tpu.vector_store %arg8[%swap3A_446, %swap3A_447], %swap3A_450 {strides = array<i32>} : memref<512x128xf32, #tpu.memory_space<vmem>>, vector<1x16xf32>,
        %swap3A_451 = arith.index_cast %scan3A_431 : i32 to index
        %swap3A_452 = arith.constant 48 : index
        %swap3A_453 = tpu.vector_load %arg8[%swap3A_451, %swap3A_452] {strides = array<i32>} : memref<512x128xf32, #tpu.memory_space<vmem>>, vector<1x16xf32>,
        %swap3A_454 = vector.shape_cast %swap3A_453 : vector<1x16xf32> to vector<16xf32>
        %swap3A_455 = vector.shape_cast %get3A_53 : vector<16xf32> to vector<1x16xf32>
        tpu.vector_store %arg8[%swap3A_451, %swap3A_452], %swap3A_455 {strides = array<i32>} : memref<512x128xf32, #tpu.memory_space<vmem>>, vector<1x16xf32>,
        %swap3A_456 = arith.index_cast %scan3A_431 : i32 to index
        %swap3A_457 = arith.constant 64 : index
        %swap3A_458 = tpu.vector_load %arg8[%swap3A_456, %swap3A_457] {strides = array<i32>} : memref<512x128xf32, #tpu.memory_space<vmem>>, vector<1x16xf32>,
        %swap3A_459 = vector.shape_cast %swap3A_458 : vector<1x16xf32> to vector<16xf32>
        %swap3A_460 = vector.shape_cast %get3A_58 : vector<16xf32> to vector<1x16xf32>
        tpu.vector_store %arg8[%swap3A_456, %swap3A_457], %swap3A_460 {strides = array<i32>} : memref<512x128xf32, #tpu.memory_space<vmem>>, vector<1x16xf32>,
        %swap3A_461 = arith.index_cast %scan3A_431 : i32 to index
        %swap3A_462 = arith.constant 80 : index
        %swap3A_463 = tpu.vector_load %arg8[%swap3A_461, %swap3A_462] {strides = array<i32>} : memref<512x128xf32, #tpu.memory_space<vmem>>, vector<1x16xf32>,
        %swap3A_464 = vector.shape_cast %swap3A_463 : vector<1x16xf32> to vector<16xf32>
        %swap3A_465 = vector.shape_cast %get3A_63 : vector<16xf32> to vector<1x16xf32>
        tpu.vector_store %arg8[%swap3A_461, %swap3A_462], %swap3A_465 {strides = array<i32>} : memref<512x128xf32, #tpu.memory_space<vmem>>, vector<1x16xf32>,
        %swap3A_466 = arith.index_cast %scan3A_431 : i32 to index
        %swap3A_467 = arith.constant 96 : index
        %swap3A_468 = tpu.vector_load %arg8[%swap3A_466, %swap3A_467] {strides = array<i32>} : memref<512x128xf32, #tpu.memory_space<vmem>>, vector<1x16xf32>,
        %swap3A_469 = vector.shape_cast %swap3A_468 : vector<1x16xf32> to vector<16xf32>
        %swap3A_470 = vector.shape_cast %get3A_68 : vector<16xf32> to vector<1x16xf32>
        tpu.vector_store %arg8[%swap3A_466, %swap3A_467], %swap3A_470 {strides = array<i32>} : memref<512x128xf32, #tpu.memory_space<vmem>>, vector<1x16xf32>,
        %swap3A_471 = arith.index_cast %scan3A_431 : i32 to index
        %swap3A_472 = arith.constant 112 : index
        %swap3A_473 = tpu.vector_load %arg8[%swap3A_471, %swap3A_472] {strides = array<i32>} : memref<512x128xf32, #tpu.memory_space<vmem>>, vector<1x16xf32>,
        %swap3A_474 = vector.shape_cast %swap3A_473 : vector<1x16xf32> to vector<16xf32>
        %swap3A_475 = vector.shape_cast %get3A_73 : vector<16xf32> to vector<1x16xf32>
        tpu.vector_store %arg8[%swap3A_471, %swap3A_472], %swap3A_475 {strides = array<i32>} : memref<512x128xf32, #tpu.memory_space<vmem>>, vector<1x16xf32>,
      } else {
      }
    }
    %scan3A_282 = arith.constant 64 : i32
    %add3A_283 = arith.constant 320 : i32
    %add3A_284 = arith.addi %mul3A_2, %add3A_283 : i32
    %dma_start3A_285 = arith.constant 320 : i32
    %dma_start3A_286 = arith.constant 0 : i32
    %dma_start3A_287 = tpu.memref_slice %arg8[%dma_start3A_285, %dma_start3A_286] : memref<512x128xf32, #tpu.memory_space<vmem>> -> memref<64x128xf32, #tpu.memory_space<vmem>>
    %dma_start3A_288 = arith.constant 0 : i32
    %dma_start3A_289 = tpu.memref_slice %arg5[%add3A_284, %dma_start3A_288] : memref<16384x128xf32, #tpu.memory_space<hbm>> -> memref<64x128xf32, #tpu.memory_space<hbm>>
    %dma_start3A_290 = arith.constant 0 : i32
    %dma_start3A_291 = tpu.memref_slice %arg5[%add3A_284, %dma_start3A_290] : memref<16384x128xf32, #tpu.memory_space<hbm>> -> memref<64x128xf32, #tpu.memory_space<hbm>>
    %dma_start3A_292 = arith.constant 320 : i32
    %dma_start3A_293 = arith.constant 0 : i32
    %dma_start3A_294 = tpu.memref_slice %arg8[%dma_start3A_292, %dma_start3A_293] : memref<512x128xf32, #tpu.memory_space<vmem>> -> memref<64x128xf32, #tpu.memory_space<vmem>>
    tpu.enqueue_dma source(%dma_start3A_294 : memref<64x128xf32, #tpu.memory_space<vmem>>) target(%dma_start3A_291 : memref<64x128xf32, #tpu.memory_space<hbm>>) target_semaphore(%arg11 : memref<!tpu.dma_semaphore, #tpu.memory_space<semaphore_mem>>)
    %dma_wait3A_295 = arith.constant 6 : i32
    %dma_wait3A_296 = arith.constant 384 : i32
    %dma_wait3A_297 = arith.constant 0 : i32
    %dma_wait3A_298 = tpu.memref_slice %arg8[%dma_wait3A_296, %dma_wait3A_297] : memref<512x128xf32, #tpu.memory_space<vmem>> -> memref<64x128xf32, #tpu.memory_space<vmem>>
    %dma_wait3A_299 = arith.constant 384 : i32
    %dma_wait3A_300 = tpu.memref_slice %arg6[%dma_wait3A_299] : memref<512xi32, #tpu.memory_space<vmem>> -> memref<64xi32, #tpu.memory_space<vmem>>
    %dma_wait3A_301 = arith.constant 0 : i32
    %dma_wait3A_302 = arith.constant 0 : i32
    %dma_wait3A_303 = tpu.memref_slice %arg4[%dma_wait3A_301, %dma_wait3A_302] : memref<100001x128xf32, #tpu.memory_space<hbm>> -> memref<100001x128xf32, #tpu.memory_space<hbm>>
    %dma_wait3A_304 = tpu.memref_slice %arg10[%dma_wait3A_295] : memref<8x!tpu.dma_semaphore, #tpu.memory_space<semaphore_mem>> -> memref<1x!tpu.dma_semaphore, #tpu.memory_space<semaphore_mem>>
    %dma_wait3A_305 = tpu.memref_squeeze %dma_wait3A_304 : memref<1x!tpu.dma_semaphore, #tpu.memory_space<semaphore_mem>> -> memref<!tpu.dma_semaphore, #tpu.memory_space<semaphore_mem>>
    tpu.wait_indirect_dma semaphore(%dma_wait3A_305 : memref<!tpu.dma_semaphore, #tpu.memory_space<semaphore_mem>>) src(%dma_wait3A_303 : memref<100001x128xf32, #tpu.memory_space<hbm>>) dst(%dma_wait3A_298 : memref<64x128xf32, #tpu.memory_space<vmem>>)
    %scan3A_306 = arith.constant 384 : i32
    %scan3A_307 = arith.constant 64 : i32
    %scan3A_308 = arith.addi %scan3A_306, %scan3A_307 : i32
    %scan3A_309 = arith.constant 1 : i32
    scf.for %scan3A_431 = %scan3A_306 to %scan3A_308 step %scan3A_309  : i32 {
      %get3A_432 = arith.index_cast %scan3A_431 : i32 to index
      %get3A_433 = tpu.vector_load %arg7[%get3A_432] {strides = array<i32>} : memref<528xi32, #tpu.memory_space<vmem>>, vector<16xi32>,
      %get3A_434 = vector.shape_cast %get3A_433 : vector<16xi32> to vector<16xi32>
      %slice3A = vector.extract_strided_slice %get3A_434 {offsets = [0], sizes = [1], strides = [1]} : vector<16xi32> to vector<1xi32>
      %squeeze3A = vector.extract %slice3A[0] : i32 from vector<1xi32>
      %ne3A = arith.constant 0 : i32
      %ne3A_435 = arith.cmpi ne, %squeeze3A, %ne3A : i32
      %convert_element_type3A = arith.extui %ne3A_435 : i1 to i32
      %cond3A = arith.constant 0 : i32
      %cond3A_436 = arith.cmpi ne, %convert_element_type3A, %cond3A : i32
      scf.if %cond3A_436 {
        %swap3A = arith.index_cast %scan3A_431 : i32 to index
        %swap3A_437 = arith.constant 0 : index
        %swap3A_438 = tpu.vector_load %arg8[%swap3A, %swap3A_437] {strides = array<i32>} : memref<512x128xf32, #tpu.memory_space<vmem>>, vector<1x16xf32>,
        %swap3A_439 = vector.shape_cast %swap3A_438 : vector<1x16xf32> to vector<16xf32>
        %swap3A_440 = vector.shape_cast %get3A_38 : vector<16xf32> to vector<1x16xf32>
        tpu.vector_store %arg8[%swap3A, %swap3A_437], %swap3A_440 {strides = array<i32>} : memref<512x128xf32, #tpu.memory_space<vmem>>, vector<1x16xf32>,
        %swap3A_441 = arith.index_cast %scan3A_431 : i32 to index
        %swap3A_442 = arith.constant 16 : index
        %swap3A_443 = tpu.vector_load %arg8[%swap3A_441, %swap3A_442] {strides = array<i32>} : memref<512x128xf32, #tpu.memory_space<vmem>>, vector<1x16xf32>,
        %swap3A_444 = vector.shape_cast %swap3A_443 : vector<1x16xf32> to vector<16xf32>
        %swap3A_445 = vector.shape_cast %get3A_43 : vector<16xf32> to vector<1x16xf32>
        tpu.vector_store %arg8[%swap3A_441, %swap3A_442], %swap3A_445 {strides = array<i32>} : memref<512x128xf32, #tpu.memory_space<vmem>>, vector<1x16xf32>,
        %swap3A_446 = arith.index_cast %scan3A_431 : i32 to index
        %swap3A_447 = arith.constant 32 : index
        %swap3A_448 = tpu.vector_load %arg8[%swap3A_446, %swap3A_447] {strides = array<i32>} : memref<512x128xf32, #tpu.memory_space<vmem>>, vector<1x16xf32>,
        %swap3A_449 = vector.shape_cast %swap3A_448 : vector<1x16xf32> to vector<16xf32>
        %swap3A_450 = vector.shape_cast %get3A_48 : vector<16xf32> to vector<1x16xf32>
        tpu.vector_store %arg8[%swap3A_446, %swap3A_447], %swap3A_450 {strides = array<i32>} : memref<512x128xf32, #tpu.memory_space<vmem>>, vector<1x16xf32>,
        %swap3A_451 = arith.index_cast %scan3A_431 : i32 to index
        %swap3A_452 = arith.constant 48 : index
        %swap3A_453 = tpu.vector_load %arg8[%swap3A_451, %swap3A_452] {strides = array<i32>} : memref<512x128xf32, #tpu.memory_space<vmem>>, vector<1x16xf32>,
        %swap3A_454 = vector.shape_cast %swap3A_453 : vector<1x16xf32> to vector<16xf32>
        %swap3A_455 = vector.shape_cast %get3A_53 : vector<16xf32> to vector<1x16xf32>
        tpu.vector_store %arg8[%swap3A_451, %swap3A_452], %swap3A_455 {strides = array<i32>} : memref<512x128xf32, #tpu.memory_space<vmem>>, vector<1x16xf32>,
        %swap3A_456 = arith.index_cast %scan3A_431 : i32 to index
        %swap3A_457 = arith.constant 64 : index
        %swap3A_458 = tpu.vector_load %arg8[%swap3A_456, %swap3A_457] {strides = array<i32>} : memref<512x128xf32, #tpu.memory_space<vmem>>, vector<1x16xf32>,
        %swap3A_459 = vector.shape_cast %swap3A_458 : vector<1x16xf32> to vector<16xf32>
        %swap3A_460 = vector.shape_cast %get3A_58 : vector<16xf32> to vector<1x16xf32>
        tpu.vector_store %arg8[%swap3A_456, %swap3A_457], %swap3A_460 {strides = array<i32>} : memref<512x128xf32, #tpu.memory_space<vmem>>, vector<1x16xf32>,
        %swap3A_461 = arith.index_cast %scan3A_431 : i32 to index
        %swap3A_462 = arith.constant 80 : index
        %swap3A_463 = tpu.vector_load %arg8[%swap3A_461, %swap3A_462] {strides = array<i32>} : memref<512x128xf32, #tpu.memory_space<vmem>>, vector<1x16xf32>,
        %swap3A_464 = vector.shape_cast %swap3A_463 : vector<1x16xf32> to vector<16xf32>
        %swap3A_465 = vector.shape_cast %get3A_63 : vector<16xf32> to vector<1x16xf32>
        tpu.vector_store %arg8[%swap3A_461, %swap3A_462], %swap3A_465 {strides = array<i32>} : memref<512x128xf32, #tpu.memory_space<vmem>>, vector<1x16xf32>,
        %swap3A_466 = arith.index_cast %scan3A_431 : i32 to index
        %swap3A_467 = arith.constant 96 : index
        %swap3A_468 = tpu.vector_load %arg8[%swap3A_466, %swap3A_467] {strides = array<i32>} : memref<512x128xf32, #tpu.memory_space<vmem>>, vector<1x16xf32>,
        %swap3A_469 = vector.shape_cast %swap3A_468 : vector<1x16xf32> to vector<16xf32>
        %swap3A_470 = vector.shape_cast %get3A_68 : vector<16xf32> to vector<1x16xf32>
        tpu.vector_store %arg8[%swap3A_466, %swap3A_467], %swap3A_470 {strides = array<i32>} : memref<512x128xf32, #tpu.memory_space<vmem>>, vector<1x16xf32>,
        %swap3A_471 = arith.index_cast %scan3A_431 : i32 to index
        %swap3A_472 = arith.constant 112 : index
        %swap3A_473 = tpu.vector_load %arg8[%swap3A_471, %swap3A_472] {strides = array<i32>} : memref<512x128xf32, #tpu.memory_space<vmem>>, vector<1x16xf32>,
        %swap3A_474 = vector.shape_cast %swap3A_473 : vector<1x16xf32> to vector<16xf32>
        %swap3A_475 = vector.shape_cast %get3A_73 : vector<16xf32> to vector<1x16xf32>
        tpu.vector_store %arg8[%swap3A_471, %swap3A_472], %swap3A_475 {strides = array<i32>} : memref<512x128xf32, #tpu.memory_space<vmem>>, vector<1x16xf32>,
      } else {
      }
    }
    %scan3A_310 = arith.constant 64 : i32
    %add3A_311 = arith.constant 384 : i32
    %add3A_312 = arith.addi %mul3A_2, %add3A_311 : i32
    %dma_start3A_313 = arith.constant 384 : i32
    %dma_start3A_314 = arith.constant 0 : i32
    %dma_start3A_315 = tpu.memref_slice %arg8[%dma_start3A_313, %dma_start3A_314] : memref<512x128xf32, #tpu.memory_space<vmem>> -> memref<64x128xf32, #tpu.memory_space<vmem>>
    %dma_start3A_316 = arith.constant 0 : i32
    %dma_start3A_317 = tpu.memref_slice %arg5[%add3A_312, %dma_start3A_316] : memref<16384x128xf32, #tpu.memory_space<hbm>> -> memref<64x128xf32, #tpu.memory_space<hbm>>
    %dma_start3A_318 = arith.constant 0 : i32
    %dma_start3A_319 = tpu.memref_slice %arg5[%add3A_312, %dma_start3A_318] : memref<16384x128xf32, #tpu.memory_space<hbm>> -> memref<64x128xf32, #tpu.memory_space<hbm>>
    %dma_start3A_320 = arith.constant 384 : i32
    %dma_start3A_321 = arith.constant 0 : i32
    %dma_start3A_322 = tpu.memref_slice %arg8[%dma_start3A_320, %dma_start3A_321] : memref<512x128xf32, #tpu.memory_space<vmem>> -> memref<64x128xf32, #tpu.memory_space<vmem>>
    tpu.enqueue_dma source(%dma_start3A_322 : memref<64x128xf32, #tpu.memory_space<vmem>>) target(%dma_start3A_319 : memref<64x128xf32, #tpu.memory_space<hbm>>) target_semaphore(%arg11 : memref<!tpu.dma_semaphore, #tpu.memory_space<semaphore_mem>>)
    %dma_wait3A_323 = arith.constant 7 : i32
    %dma_wait3A_324 = arith.constant 448 : i32
    %dma_wait3A_325 = arith.constant 0 : i32
    %dma_wait3A_326 = tpu.memref_slice %arg8[%dma_wait3A_324, %dma_wait3A_325] : memref<512x128xf32, #tpu.memory_space<vmem>> -> memref<64x128xf32, #tpu.memory_space<vmem>>
    %dma_wait3A_327 = arith.constant 448 : i32
    %dma_wait3A_328 = tpu.memref_slice %arg6[%dma_wait3A_327] : memref<512xi32, #tpu.memory_space<vmem>> -> memref<64xi32, #tpu.memory_space<vmem>>
    %dma_wait3A_329 = arith.constant 0 : i32
    %dma_wait3A_330 = arith.constant 0 : i32
    %dma_wait3A_331 = tpu.memref_slice %arg4[%dma_wait3A_329, %dma_wait3A_330] : memref<100001x128xf32, #tpu.memory_space<hbm>> -> memref<100001x128xf32, #tpu.memory_space<hbm>>
    %dma_wait3A_332 = tpu.memref_slice %arg10[%dma_wait3A_323] : memref<8x!tpu.dma_semaphore, #tpu.memory_space<semaphore_mem>> -> memref<1x!tpu.dma_semaphore, #tpu.memory_space<semaphore_mem>>
    %dma_wait3A_333 = tpu.memref_squeeze %dma_wait3A_332 : memref<1x!tpu.dma_semaphore, #tpu.memory_space<semaphore_mem>> -> memref<!tpu.dma_semaphore, #tpu.memory_space<semaphore_mem>>
    tpu.wait_indirect_dma semaphore(%dma_wait3A_333 : memref<!tpu.dma_semaphore, #tpu.memory_space<semaphore_mem>>) src(%dma_wait3A_331 : memref<100001x128xf32, #tpu.memory_space<hbm>>) dst(%dma_wait3A_326 : memref<64x128xf32, #tpu.memory_space<vmem>>)
    %scan3A_334 = arith.constant 448 : i32
    %scan3A_335 = arith.constant 64 : i32
    %scan3A_336 = arith.addi %scan3A_334, %scan3A_335 : i32
    %scan3A_337 = arith.constant 1 : i32
    scf.for %scan3A_431 = %scan3A_334 to %scan3A_336 step %scan3A_337  : i32 {
      %get3A_432 = arith.index_cast %scan3A_431 : i32 to index
      %get3A_433 = tpu.vector_load %arg7[%get3A_432] {strides = array<i32>} : memref<528xi32, #tpu.memory_space<vmem>>, vector<16xi32>,
      %get3A_434 = vector.shape_cast %get3A_433 : vector<16xi32> to vector<16xi32>
      %slice3A = vector.extract_strided_slice %get3A_434 {offsets = [0], sizes = [1], strides = [1]} : vector<16xi32> to vector<1xi32>
      %squeeze3A = vector.extract %slice3A[0] : i32 from vector<1xi32>
      %ne3A = arith.constant 0 : i32
      %ne3A_435 = arith.cmpi ne, %squeeze3A, %ne3A : i32
      %convert_element_type3A = arith.extui %ne3A_435 : i1 to i32
      %cond3A = arith.constant 0 : i32
      %cond3A_436 = arith.cmpi ne, %convert_element_type3A, %cond3A : i32
      scf.if %cond3A_436 {
        %swap3A = arith.index_cast %scan3A_431 : i32 to index
        %swap3A_437 = arith.constant 0 : index
        %swap3A_438 = tpu.vector_load %arg8[%swap3A, %swap3A_437] {strides = array<i32>} : memref<512x128xf32, #tpu.memory_space<vmem>>, vector<1x16xf32>,
        %swap3A_439 = vector.shape_cast %swap3A_438 : vector<1x16xf32> to vector<16xf32>
        %swap3A_440 = vector.shape_cast %get3A_38 : vector<16xf32> to vector<1x16xf32>
        tpu.vector_store %arg8[%swap3A, %swap3A_437], %swap3A_440 {strides = array<i32>} : memref<512x128xf32, #tpu.memory_space<vmem>>, vector<1x16xf32>,
        %swap3A_441 = arith.index_cast %scan3A_431 : i32 to index
        %swap3A_442 = arith.constant 16 : index
        %swap3A_443 = tpu.vector_load %arg8[%swap3A_441, %swap3A_442] {strides = array<i32>} : memref<512x128xf32, #tpu.memory_space<vmem>>, vector<1x16xf32>,
        %swap3A_444 = vector.shape_cast %swap3A_443 : vector<1x16xf32> to vector<16xf32>
        %swap3A_445 = vector.shape_cast %get3A_43 : vector<16xf32> to vector<1x16xf32>
        tpu.vector_store %arg8[%swap3A_441, %swap3A_442], %swap3A_445 {strides = array<i32>} : memref<512x128xf32, #tpu.memory_space<vmem>>, vector<1x16xf32>,
        %swap3A_446 = arith.index_cast %scan3A_431 : i32 to index
        %swap3A_447 = arith.constant 32 : index
        %swap3A_448 = tpu.vector_load %arg8[%swap3A_446, %swap3A_447] {strides = array<i32>} : memref<512x128xf32, #tpu.memory_space<vmem>>, vector<1x16xf32>,
        %swap3A_449 = vector.shape_cast %swap3A_448 : vector<1x16xf32> to vector<16xf32>
        %swap3A_450 = vector.shape_cast %get3A_48 : vector<16xf32> to vector<1x16xf32>
        tpu.vector_store %arg8[%swap3A_446, %swap3A_447], %swap3A_450 {strides = array<i32>} : memref<512x128xf32, #tpu.memory_space<vmem>>, vector<1x16xf32>,
        %swap3A_451 = arith.index_cast %scan3A_431 : i32 to index
        %swap3A_452 = arith.constant 48 : index
        %swap3A_453 = tpu.vector_load %arg8[%swap3A_451, %swap3A_452] {strides = array<i32>} : memref<512x128xf32, #tpu.memory_space<vmem>>, vector<1x16xf32>,
        %swap3A_454 = vector.shape_cast %swap3A_453 : vector<1x16xf32> to vector<16xf32>
        %swap3A_455 = vector.shape_cast %get3A_53 : vector<16xf32> to vector<1x16xf32>
        tpu.vector_store %arg8[%swap3A_451, %swap3A_452], %swap3A_455 {strides = array<i32>} : memref<512x128xf32, #tpu.memory_space<vmem>>, vector<1x16xf32>,
        %swap3A_456 = arith.index_cast %scan3A_431 : i32 to index
        %swap3A_457 = arith.constant 64 : index
        %swap3A_458 = tpu.vector_load %arg8[%swap3A_456, %swap3A_457] {strides = array<i32>} : memref<512x128xf32, #tpu.memory_space<vmem>>, vector<1x16xf32>,
        %swap3A_459 = vector.shape_cast %swap3A_458 : vector<1x16xf32> to vector<16xf32>
        %swap3A_460 = vector.shape_cast %get3A_58 : vector<16xf32> to vector<1x16xf32>
        tpu.vector_store %arg8[%swap3A_456, %swap3A_457], %swap3A_460 {strides = array<i32>} : memref<512x128xf32, #tpu.memory_space<vmem>>, vector<1x16xf32>,
        %swap3A_461 = arith.index_cast %scan3A_431 : i32 to index
        %swap3A_462 = arith.constant 80 : index
        %swap3A_463 = tpu.vector_load %arg8[%swap3A_461, %swap3A_462] {strides = array<i32>} : memref<512x128xf32, #tpu.memory_space<vmem>>, vector<1x16xf32>,
        %swap3A_464 = vector.shape_cast %swap3A_463 : vector<1x16xf32> to vector<16xf32>
        %swap3A_465 = vector.shape_cast %get3A_63 : vector<16xf32> to vector<1x16xf32>
        tpu.vector_store %arg8[%swap3A_461, %swap3A_462], %swap3A_465 {strides = array<i32>} : memref<512x128xf32, #tpu.memory_space<vmem>>, vector<1x16xf32>,
        %swap3A_466 = arith.index_cast %scan3A_431 : i32 to index
        %swap3A_467 = arith.constant 96 : index
        %swap3A_468 = tpu.vector_load %arg8[%swap3A_466, %swap3A_467] {strides = array<i32>} : memref<512x128xf32, #tpu.memory_space<vmem>>, vector<1x16xf32>,
        %swap3A_469 = vector.shape_cast %swap3A_468 : vector<1x16xf32> to vector<16xf32>
        %swap3A_470 = vector.shape_cast %get3A_68 : vector<16xf32> to vector<1x16xf32>
        tpu.vector_store %arg8[%swap3A_466, %swap3A_467], %swap3A_470 {strides = array<i32>} : memref<512x128xf32, #tpu.memory_space<vmem>>, vector<1x16xf32>,
        %swap3A_471 = arith.index_cast %scan3A_431 : i32 to index
        %swap3A_472 = arith.constant 112 : index
        %swap3A_473 = tpu.vector_load %arg8[%swap3A_471, %swap3A_472] {strides = array<i32>} : memref<512x128xf32, #tpu.memory_space<vmem>>, vector<1x16xf32>,
        %swap3A_474 = vector.shape_cast %swap3A_473 : vector<1x16xf32> to vector<16xf32>
        %swap3A_475 = vector.shape_cast %get3A_73 : vector<16xf32> to vector<1x16xf32>
        tpu.vector_store %arg8[%swap3A_471, %swap3A_472], %swap3A_475 {strides = array<i32>} : memref<512x128xf32, #tpu.memory_space<vmem>>, vector<1x16xf32>,
      } else {
      }
    }
    %scan3A_338 = arith.constant 64 : i32
    %add3A_339 = arith.constant 448 : i32
    %add3A_340 = arith.addi %mul3A_2, %add3A_339 : i32
    %dma_start3A_341 = arith.constant 448 : i32
    %dma_start3A_342 = arith.constant 0 : i32
    %dma_start3A_343 = tpu.memref_slice %arg8[%dma_start3A_341, %dma_start3A_342] : memref<512x128xf32, #tpu.memory_space<vmem>> -> memref<64x128xf32, #tpu.memory_space<vmem>>
    %dma_start3A_344 = arith.constant 0 : i32
    %dma_start3A_345 = tpu.memref_slice %arg5[%add3A_340, %dma_start3A_344] : memref<16384x128xf32, #tpu.memory_space<hbm>> -> memref<64x128xf32, #tpu.memory_space<hbm>>
    %dma_start3A_346 = arith.constant 0 : i32
    %dma_start3A_347 = tpu.memref_slice %arg5[%add3A_340, %dma_start3A_346] : memref<16384x128xf32, #tpu.memory_space<hbm>> -> memref<64x128xf32, #tpu.memory_space<hbm>>
    %dma_start3A_348 = arith.constant 448 : i32
    %dma_start3A_349 = arith.constant 0 : i32
    %dma_start3A_350 = tpu.memref_slice %arg8[%dma_start3A_348, %dma_start3A_349] : memref<512x128xf32, #tpu.memory_space<vmem>> -> memref<64x128xf32, #tpu.memory_space<vmem>>
    tpu.enqueue_dma source(%dma_start3A_350 : memref<64x128xf32, #tpu.memory_space<vmem>>) target(%dma_start3A_347 : memref<64x128xf32, #tpu.memory_space<hbm>>) target_semaphore(%arg11 : memref<!tpu.dma_semaphore, #tpu.memory_space<semaphore_mem>>)
    %dma_wait3A_351 = arith.constant 0 : i32
    %dma_wait3A_352 = arith.constant 0 : i32
    %dma_wait3A_353 = tpu.memref_slice %arg8[%dma_wait3A_351, %dma_wait3A_352] : memref<512x128xf32, #tpu.memory_space<vmem>> -> memref<64x128xf32, #tpu.memory_space<vmem>>
    %dma_wait3A_354 = arith.constant 0 : i32
    %dma_wait3A_355 = tpu.memref_slice %arg5[%add3A_100, %dma_wait3A_354] : memref<16384x128xf32, #tpu.memory_space<hbm>> -> memref<64x128xf32, #tpu.memory_space<hbm>>
    %dma_wait3A_356 = arith.constant 0 : i32
    %dma_wait3A_357 = tpu.memref_slice %arg5[%add3A_100, %dma_wait3A_356] : memref<16384x128xf32, #tpu.memory_space<hbm>> -> memref<64x128xf32, #tpu.memory_space<hbm>>
    %dma_wait3A_358 = arith.constant 0 : i32
    %dma_wait3A_359 = arith.constant 0 : i32
    %dma_wait3A_360 = tpu.memref_slice %arg8[%dma_wait3A_358, %dma_wait3A_359] : memref<512x128xf32, #tpu.memory_space<vmem>> -> memref<64x128xf32, #tpu.memory_space<vmem>>
    tpu.wait_dma2 semaphore(%arg11 : memref<!tpu.dma_semaphore, #tpu.memory_space<semaphore_mem>>) src(%dma_wait3A_360 : memref<64x128xf32, #tpu.memory_space<vmem>>) dst(%dma_wait3A_357 : memref<64x128xf32, #tpu.memory_space<hbm>>)
    %dma_wait3A_361 = arith.constant 64 : i32
    %dma_wait3A_362 = arith.constant 0 : i32
    %dma_wait3A_363 = tpu.memref_slice %arg8[%dma_wait3A_361, %dma_wait3A_362] : memref<512x128xf32, #tpu.memory_space<vmem>> -> memref<64x128xf32, #tpu.memory_space<vmem>>
    %dma_wait3A_364 = arith.constant 0 : i32
    %dma_wait3A_365 = tpu.memref_slice %arg5[%add3A_139, %dma_wait3A_364] : memref<16384x128xf32, #tpu.memory_space<hbm>> -> memref<64x128xf32, #tpu.memory_space<hbm>>
    %dma_wait3A_366 = arith.constant 0 : i32
    %dma_wait3A_367 = tpu.memref_slice %arg5[%add3A_139, %dma_wait3A_366] : memref<16384x128xf32, #tpu.memory_space<hbm>> -> memref<64x128xf32, #tpu.memory_space<hbm>>
    %dma_wait3A_368 = arith.constant 64 : i32
    %dma_wait3A_369 = arith.constant 0 : i32
    %dma_wait3A_370 = tpu.memref_slice %arg8[%dma_wait3A_368, %dma_wait3A_369] : memref<512x128xf32, #tpu.memory_space<vmem>> -> memref<64x128xf32, #tpu.memory_space<vmem>>
    tpu.wait_dma2 semaphore(%arg11 : memref<!tpu.dma_semaphore, #tpu.memory_space<semaphore_mem>>) src(%dma_wait3A_370 : memref<64x128xf32, #tpu.memory_space<vmem>>) dst(%dma_wait3A_367 : memref<64x128xf32, #tpu.memory_space<hbm>>)
    %dma_wait3A_371 = arith.constant 128 : i32
    %dma_wait3A_372 = arith.constant 0 : i32
    %dma_wait3A_373 = tpu.memref_slice %arg8[%dma_wait3A_371, %dma_wait3A_372] : memref<512x128xf32, #tpu.memory_space<vmem>> -> memref<64x128xf32, #tpu.memory_space<vmem>>
    %dma_wait3A_374 = arith.constant 0 : i32
    %dma_wait3A_375 = tpu.memref_slice %arg5[%add3A_178, %dma_wait3A_374] : memref<16384x128xf32, #tpu.memory_space<hbm>> -> memref<64x128xf32, #tpu.memory_space<hbm>>
    %dma_wait3A_376 = arith.constant 0 : i32
    %dma_wait3A_377 = tpu.memref_slice %arg5[%add3A_178, %dma_wait3A_376] : memref<16384x128xf32, #tpu.memory_space<hbm>> -> memref<64x128xf32, #tpu.memory_space<hbm>>
    %dma_wait3A_378 = arith.constant 128 : i32
    %dma_wait3A_379 = arith.constant 0 : i32
    %dma_wait3A_380 = tpu.memref_slice %arg8[%dma_wait3A_378, %dma_wait3A_379] : memref<512x128xf32, #tpu.memory_space<vmem>> -> memref<64x128xf32, #tpu.memory_space<vmem>>
    tpu.wait_dma2 semaphore(%arg11 : memref<!tpu.dma_semaphore, #tpu.memory_space<semaphore_mem>>) src(%dma_wait3A_380 : memref<64x128xf32, #tpu.memory_space<vmem>>) dst(%dma_wait3A_377 : memref<64x128xf32, #tpu.memory_space<hbm>>)
    %dma_wait3A_381 = arith.constant 192 : i32
    %dma_wait3A_382 = arith.constant 0 : i32
    %dma_wait3A_383 = tpu.memref_slice %arg8[%dma_wait3A_381, %dma_wait3A_382] : memref<512x128xf32, #tpu.memory_space<vmem>> -> memref<64x128xf32, #tpu.memory_space<vmem>>
    %dma_wait3A_384 = arith.constant 0 : i32
    %dma_wait3A_385 = tpu.memref_slice %arg5[%add3A_217, %dma_wait3A_384] : memref<16384x128xf32, #tpu.memory_space<hbm>> -> memref<64x128xf32, #tpu.memory_space<hbm>>
    %dma_wait3A_386 = arith.constant 0 : i32
    %dma_wait3A_387 = tpu.memref_slice %arg5[%add3A_217, %dma_wait3A_386] : memref<16384x128xf32, #tpu.memory_space<hbm>> -> memref<64x128xf32, #tpu.memory_space<hbm>>
    %dma_wait3A_388 = arith.constant 192 : i32
    %dma_wait3A_389 = arith.constant 0 : i32
    %dma_wait3A_390 = tpu.memref_slice %arg8[%dma_wait3A_388, %dma_wait3A_389] : memref<512x128xf32, #tpu.memory_space<vmem>> -> memref<64x128xf32, #tpu.memory_space<vmem>>
    tpu.wait_dma2 semaphore(%arg11 : memref<!tpu.dma_semaphore, #tpu.memory_space<semaphore_mem>>) src(%dma_wait3A_390 : memref<64x128xf32, #tpu.memory_space<vmem>>) dst(%dma_wait3A_387 : memref<64x128xf32, #tpu.memory_space<hbm>>)
    %dma_wait3A_391 = arith.constant 256 : i32
    %dma_wait3A_392 = arith.constant 0 : i32
    %dma_wait3A_393 = tpu.memref_slice %arg8[%dma_wait3A_391, %dma_wait3A_392] : memref<512x128xf32, #tpu.memory_space<vmem>> -> memref<64x128xf32, #tpu.memory_space<vmem>>
    %dma_wait3A_394 = arith.constant 0 : i32
    %dma_wait3A_395 = tpu.memref_slice %arg5[%add3A_256, %dma_wait3A_394] : memref<16384x128xf32, #tpu.memory_space<hbm>> -> memref<64x128xf32, #tpu.memory_space<hbm>>
    %dma_wait3A_396 = arith.constant 0 : i32
    %dma_wait3A_397 = tpu.memref_slice %arg5[%add3A_256, %dma_wait3A_396] : memref<16384x128xf32, #tpu.memory_space<hbm>> -> memref<64x128xf32, #tpu.memory_space<hbm>>
    %dma_wait3A_398 = arith.constant 256 : i32
    %dma_wait3A_399 = arith.constant 0 : i32
    %dma_wait3A_400 = tpu.memref_slice %arg8[%dma_wait3A_398, %dma_wait3A_399] : memref<512x128xf32, #tpu.memory_space<vmem>> -> memref<64x128xf32, #tpu.memory_space<vmem>>
    tpu.wait_dma2 semaphore(%arg11 : memref<!tpu.dma_semaphore, #tpu.memory_space<semaphore_mem>>) src(%dma_wait3A_400 : memref<64x128xf32, #tpu.memory_space<vmem>>) dst(%dma_wait3A_397 : memref<64x128xf32, #tpu.memory_space<hbm>>)
    %dma_wait3A_401 = arith.constant 320 : i32
    %dma_wait3A_402 = arith.constant 0 : i32
    %dma_wait3A_403 = tpu.memref_slice %arg8[%dma_wait3A_401, %dma_wait3A_402] : memref<512x128xf32, #tpu.memory_space<vmem>> -> memref<64x128xf32, #tpu.memory_space<vmem>>
    %dma_wait3A_404 = arith.constant 0 : i32
    %dma_wait3A_405 = tpu.memref_slice %arg5[%add3A_284, %dma_wait3A_404] : memref<16384x128xf32, #tpu.memory_space<hbm>> -> memref<64x128xf32, #tpu.memory_space<hbm>>
    %dma_wait3A_406 = arith.constant 0 : i32
    %dma_wait3A_407 = tpu.memref_slice %arg5[%add3A_284, %dma_wait3A_406] : memref<16384x128xf32, #tpu.memory_space<hbm>> -> memref<64x128xf32, #tpu.memory_space<hbm>>
    %dma_wait3A_408 = arith.constant 320 : i32
    %dma_wait3A_409 = arith.constant 0 : i32
    %dma_wait3A_410 = tpu.memref_slice %arg8[%dma_wait3A_408, %dma_wait3A_409] : memref<512x128xf32, #tpu.memory_space<vmem>> -> memref<64x128xf32, #tpu.memory_space<vmem>>
    tpu.wait_dma2 semaphore(%arg11 : memref<!tpu.dma_semaphore, #tpu.memory_space<semaphore_mem>>) src(%dma_wait3A_410 : memref<64x128xf32, #tpu.memory_space<vmem>>) dst(%dma_wait3A_407 : memref<64x128xf32, #tpu.memory_space<hbm>>)
    %dma_wait3A_411 = arith.constant 384 : i32
    %dma_wait3A_412 = arith.constant 0 : i32
    %dma_wait3A_413 = tpu.memref_slice %arg8[%dma_wait3A_411, %dma_wait3A_412] : memref<512x128xf32, #tpu.memory_space<vmem>> -> memref<64x128xf32, #tpu.memory_space<vmem>>
    %dma_wait3A_414 = arith.constant 0 : i32
    %dma_wait3A_415 = tpu.memref_slice %arg5[%add3A_312, %dma_wait3A_414] : memref<16384x128xf32, #tpu.memory_space<hbm>> -> memref<64x128xf32, #tpu.memory_space<hbm>>
    %dma_wait3A_416 = arith.constant 0 : i32
    %dma_wait3A_417 = tpu.memref_slice %arg5[%add3A_312, %dma_wait3A_416] : memref<16384x128xf32, #tpu.memory_space<hbm>> -> memref<64x128xf32, #tpu.memory_space<hbm>>
    %dma_wait3A_418 = arith.constant 384 : i32
    %dma_wait3A_419 = arith.constant 0 : i32
    %dma_wait3A_420 = tpu.memref_slice %arg8[%dma_wait3A_418, %dma_wait3A_419] : memref<512x128xf32, #tpu.memory_space<vmem>> -> memref<64x128xf32, #tpu.memory_space<vmem>>
    tpu.wait_dma2 semaphore(%arg11 : memref<!tpu.dma_semaphore, #tpu.memory_space<semaphore_mem>>) src(%dma_wait3A_420 : memref<64x128xf32, #tpu.memory_space<vmem>>) dst(%dma_wait3A_417 : memref<64x128xf32, #tpu.memory_space<hbm>>)
    %dma_wait3A_421 = arith.constant 448 : i32
    %dma_wait3A_422 = arith.constant 0 : i32
    %dma_wait3A_423 = tpu.memref_slice %arg8[%dma_wait3A_421, %dma_wait3A_422] : memref<512x128xf32, #tpu.memory_space<vmem>> -> memref<64x128xf32, #tpu.memory_space<vmem>>
    %dma_wait3A_424 = arith.constant 0 : i32
    %dma_wait3A_425 = tpu.memref_slice %arg5[%add3A_340, %dma_wait3A_424] : memref<16384x128xf32, #tpu.memory_space<hbm>> -> memref<64x128xf32, #tpu.memory_space<hbm>>
    %dma_wait3A_426 = arith.constant 0 : i32
    %dma_wait3A_427 = tpu.memref_slice %arg5[%add3A_340, %dma_wait3A_426] : memref<16384x128xf32, #tpu.memory_space<hbm>> -> memref<64x128xf32, #tpu.memory_space<hbm>>
    %dma_wait3A_428 = arith.constant 448 : i32
    %dma_wait3A_429 = arith.constant 0 : i32
    %dma_wait3A_430 = tpu.memref_slice %arg8[%dma_wait3A_428, %dma_wait3A_429] : memref<512x128xf32, #tpu.memory_space<vmem>> -> memref<64x128xf32, #tpu.memory_space<vmem>>
    tpu.wait_dma2 semaphore(%arg11 : memref<!tpu.dma_semaphore, #tpu.memory_space<semaphore_mem>>) src(%dma_wait3A_430 : memref<64x128xf32, #tpu.memory_space<vmem>>) dst(%dma_wait3A_427 : memref<64x128xf32, #tpu.memory_space<hbm>>)
    return
  }
}

</mosaic_0001>

<sc_bundles>
// kernel: kernel.3.cloned.1.call-start
scs
__scs_entry_jumppad:
0x0: {  	(pc) =	sbr.rel $0x88, $3  }
0x1: {  	(tag) =	ssettag $0x0;
	lr =	simm.s32 $0x1  }
0x2: {  	[smem:$0x3F9E] =	sst lr;
	_ =	strace $0xD0000000  }
0x3: {  	_ = 	snop  }
0x4: {  	_ = 	snop  }
0x5: {  	_ = 	snop  }
0x6: {  	_ = 	snop  }
0x7: {  	_ = 	snop  }
__scs_overlays_trampoline_lowered:
0x8: {  	[smem:$0x3FAD] =	sst s0  }
0x9: {  	[smem:$0x3FAE] =	sst s1  }
0xa: {  	[smem:$0x3FAF] =	sst s2  }
0xb: {  	[smem:$0x3FB0] =	sst s3  }
0xc: {  	[smem:$0x3FB1] =	sst s4  }
0xd: {  	[smem:$0x3FB2] =	sst s5  }
0xe: {  	[smem:$0x3FB3] =	sst s6  }
0xf: {  	[smem:$0x3FB4] =	sst s7  }
0x10: {  	[smem:$0x3FB5] =	sst s8  }
0x11: {  	[smem:$0x3FB6] =	sst s9;
	s0 =	simm.s32 @!p0 $0x0  }
0x12: {  	s1 =	sld [smem:$0x3F9C];
	s0 =	simm.s32 @p0 $0x1  }
0x13: {  	[smem:$0x3FB7] =	sst s0;
	s0 =	simm.s32 @!p1 $0x0  }
0x14: {  	s2 =	sld [smem:$0x3F9B];
	s0 =	simm.s32 @p1 $0x1  }
0x15: {  	[smem:$0x3FB8] =	sst s0;
	s0 =	simm.s32 @!p2 $0x0  }
0x16: {  	s3 =	sld [smem:$0x3FDB];
	s0 =	simm.s32 @p2 $0x1  }
0x17: {  	s4 =	simm.s32 $0x1BF5;
	[smem:$0x3FBA] =	sst s0  }
0x18: {  	s0 =	sld [smem:$0x3F9D];
	_ =	swait.ge [sflag:s4], $0x0  }
0x19: {  	s7 =	sld [smem:$0x3F9E]  }
0x1a: {  	s8 =	sadd.s32 $0xFFFFE003, lr  }
0x1b: {  	s9 =	sadd.s32 $0xFFFFFEF7, lr;
	s5 =	simm.s32 $0xFFFFFFFF;
	p2 =	slt.u32 s8, $0xFFFFF086  }
0x1c: {  	p1 =	slt.u32 s9, $0xF7A;
	s5 =	simm.s32 @!p2 $0x0  }
0x1d: {  	s5 =	simm.s32 @p1 $0x1;
	p0 =	seq.s32 s7, s2  }
0x1e: {  	s7 =	smul.u32 @!p0 $0xF7A, s2;
	p2 =	seq.s32 @!p0 s5, $0x0  }
0x1f: {  	s9 =	smul.u32 $0xF7A, s1;
	s8 =	simm.s32 @!p0 $0x1BF5;
	p2 =	por !p2, p0  }
0x20: {  	[sflag:s8] =	ssyncset.s32 @!p0 $0xFFFFF086;
	s6 =	sadd.s32 @!p0 s3, s7;
	s7 =	simm.s32 @!p0 $0x108  }
0x21: {  	s3 =	sadd.s32 s3, s9;
	s6 =	sadd.s32 @!p0 $0x88, s6;
	s7 =	simm.s32 @p2 $0x1082  }
0x22: {  	[simem:s7], [sflag:s8] =	dma.local @!p0 [hbm:s6], $0xF7A  }
0x23: {  	s9 =	sor.u32 $0xD0000000, s2;
	s6 =	simm.s32 $0x108;
	_ =	swait.ge @!p0 [sflag:s8], $0x0  }
0x24: {  	s3 =	sadd.s32 $0x88, s3;
	s6 =	simm.s32 @!p1 $0x1082;
	[sflag:s4] =	ssyncset.s32 $0xFFFFF086  }
0x25: {  	[simem:s6], [sflag:s4] =	dma.local [hbm:s3], $0xF7A  }
0x26: {  	[smem:$0x3F9E] =	sst s1;
	(tag) =	ssettag s2;
	_ =	strace s9  }
0x27: {  	s1 =	sld [smem:$0x3FAE]  }
0x28: {  	s2 =	sld [smem:$0x3FAF]  }
0x29: {  	s4 =	sld [smem:$0x3FB1]  }
0x2a: {  	p0 =	seq.s32 s5, $0x0;
	s5 =	sld [smem:$0x3FB2]  }
0x2b: {  	s6 =	sld [smem:$0x3FB3]  }
0x2c: {  	s7 =	sld [smem:$0x3FB4]  }
0x2d: {  	s3 =	simm.s32 $0x108;
	s8 =	sld [smem:$0x3FB5]  }
0x2e: {  	s3 =	simm.s32 @!p0 $0x1082;
	s9 =	sld [smem:$0x3FB6]  }
0x2f: {  	lr =	sadd.s32 s0, s3;
	s0 =	sld [smem:$0x3FAD]  }
0x30: {  	s3 =	sld [smem:$0x3FB0]  }
0x31: {  	[smem:$0x3FB9] =	sst s10  }
0x32: {  	s10 =	sld [smem:$0x3FB7];
	_ =	sdelay $0x3  }
0x33: {  	p0 =	seq.s32 s10, $0x1;
	s10 =	sld [smem:$0x3FB9];
	_ =	sdelay $0x3  }
0x34: {  	[smem:$0x3FB9] =	sst s10  }
0x35: {  	s10 =	sld [smem:$0x3FB8];
	_ =	sdelay $0x3  }
0x36: {  	p1 =	seq.s32 s10, $0x1;
	s10 =	sld [smem:$0x3FB9];
	_ =	sdelay $0x3  }
0x37: {  	[smem:$0x3FB9] =	sst s10  }
0x38: {  	s10 =	sld [smem:$0x3FBA]  }
0x39: {  	_ = 	snop;
	(pc) =	sbr.ind lr, $3  }
0x3a: {  	_ = 	snop  }
0x3b: {  	_ = 	snop  }
0x3c: {  	p2 =	seq.s32 s10, $0x1;
	s10 =	sld [smem:$0x3FB9]  }
0x3d: {  	_ =	shalt  }
0x3e: {  	_ =	shalt  }
0x3f: {  	_ =	shalt  }
0x40: {  	_ =	shalt  }
0x41: {  	_ =	shalt  }
0x42: {  	_ =	shalt  }
0x43: {  	_ =	shalt  }
0x44: {  	_ =	shalt  }
0x45: {  	_ =	shalt  }
0x46: {  	_ =	shalt  }
0x47: {  	_ =	shalt  }
0x48: {  	_ =	shalt  }
0x49: {  	_ =	shalt  }
0x4a: {  	_ =	shalt  }
0x4b: {  	_ =	shalt  }
0x4c: {  	_ =	shalt  }
0x4d: {  	_ =	shalt  }
0x4e: {  	_ =	shalt  }
0x4f: {  	_ =	shalt  }
0x50: {  	_ =	shalt  }
0x51: {  	_ =	shalt  }
0x52: {  	_ =	shalt  }
0x53: {  	_ =	shalt  }
0x54: {  	_ =	shalt  }
0x55: {  	_ =	shalt  }
0x56: {  	_ =	shalt  }
0x57: {  	_ =	shalt  }
0x58: {  	_ =	shalt  }
0x59: {  	_ =	shalt  }
0x5a: {  	_ =	shalt  }
0x5b: {  	_ =	shalt  }
0x5c: {  	_ =	shalt  }
0x5d: {  	_ =	shalt  }
0x5e: {  	_ =	shalt  }
0x5f: {  	_ =	shalt  }
0x60: {  	_ =	shalt  }
0x61: {  	_ =	shalt  }
0x62: {  	_ =	shalt  }
0x63: {  	_ =	shalt  }
0x64: {  	_ =	shalt  }
0x65: {  	_ =	shalt  }
0x66: {  	_ =	shalt  }
0x67: {  	_ =	shalt  }
0x68: {  	_ =	shalt  }
0x69: {  	_ =	shalt  }
0x6a: {  	_ =	shalt  }
0x6b: {  	_ =	shalt  }
0x6c: {  	_ =	shalt  }
0x6d: {  	_ =	shalt  }
0x6e: {  	_ =	shalt  }
0x6f: {  	_ =	shalt  }
0x70: {  	_ =	shalt  }
0x71: {  	_ =	shalt  }
0x72: {  	_ =	shalt  }
0x73: {  	_ =	shalt  }
0x74: {  	_ =	shalt  }
0x75: {  	_ =	shalt  }
0x76: {  	_ =	shalt  }
0x77: {  	_ =	shalt  }
0x78: {  	_ =	shalt  }
0x79: {  	_ =	shalt  }
0x7a: {  	_ =	shalt  }
0x7b: {  	_ =	shalt  }
0x7c: {  	_ =	shalt  }
0x7d: {  	_ =	shalt  }
0x7e: {  	_ =	shalt  }
0x7f: {  	_ =	shalt  }
0x80: {  	_ =	shalt  }
0x81: {  	_ =	shalt  }
0x82: {  	_ =	shalt  }
0x83: {  	_ =	shalt  }
0x84: {  	_ =	shalt  }
0x85: {  	_ =	shalt  }
0x86: {  	_ =	shalt  }
0x87: {  	_ =	shalt  }
.Lfunc_end0:
.L_simem_size_0:
called_computation_lowered:
.L_overlay_start_0:
0x88: {  	s2 =	sld [smem:$0x3FD9]  }
0x89: {  	s3 =	sld [smem:$0x3FFE];
	_ =	sdelay $0x1  }
0x8a: {  	s1 =	srdreg.scid  }
0x8b: {  	s0 =	sand.u32 $0x1, s1  }
0x8c: {  	s18 =	sshll.u32 s0, $0xA;
	s2 =	sadd.s32 s3, s2  }
0x8d: {  	s2 =	sadd.s32 s2, s18  }
0x8e: {  	[smem:$0x3FC5] =	sst s2  }
0x8f: {  	_ = 	snop  }
0x90: {  	s2 =	sld [smem:$0x3FC9]  }
0x91: {  	s19 =	sld [smem:$0x3FC8]  }
0x92: {  	s4 =	sld [smem:$0x3FC7]  }
0x93: {  	s5 =	sld [smem:$0x3FD0];
	(tm) =	ssettm $0x1  }
0x94: {  	s6 =	sld [smem:$0x3FFB];
	_ =	sdelay $0x3  }
0x95: {  	_ =	strace s6  }
0x96: {  	s6 =	sld [smem:$0x3FFC];
	_ =	sdelay $0x3  }
0x97: {  	_ =	strace s6  }
0x98: {  	s6 =	sld [smem:$0x3FFD];
	_ =	sdelay $0x3  }
0x99: {  	_ =	strace s6  }
0x9a: {  	_ =	strace $0x8FFFFFFF  }
0x9b: {  	s20 =	sld [smem:$0x3FDB];
	_ =	sdelay $0x1  }
0x9c: {  	s7 =	simm.s32 $_scs_section_size  }
0x9d: {  	s8 =	simm.s32 $_size__tile_overlayer_lowered;
	s9 =	simm.s32 $_tile_overlayer_lowered  }
0x9e: {  	s23 =	simm.s32 $0x1BFF;
	s22 =	sshll.u32 s9, $0x1;
	s6 =	sadd.s32 s7, s20  }
0x9f: {  	s10 =	simm.s32 $0x0;
	s21 =	sshll.u32 s8, $0x1;
	s8 =	sadd.s32 s22, s6  }
0xa0: {  	[timem:s10], [sflag:s23] =	dma.local [hbm:s8], s21  }
0xa1: {  	_ =	swait.ge [sflag:s23], s21  }
0xa2: {  	s7 =	ssub.s32 $0x0, s21;
	[sflag:s23] =	ssyncset.done $0x0  }
0xa3: {  	[sflag:s23] =	ssyncadd.s32 s7;
	_ =	sdelay $0x1  }
0xa4: {  	s24 =	simm.s32 $0x1B8B  }
0xa5: {  	_ =	swait.ge [sflag:s24], $0x1  }
0xa6: {  	[sflag:s24] =	ssyncset.done $0x0  }
0xa7: {  	s25 =	simm.s32 $0x1B8E;
	[sflag:s24] =	ssyncadd.s32 $0xFFFFFFFF  }
0xa8: {  	s26 =	simm.s32 $execute0_lowered;
	[smem:$0x3FD2] =	sst s25  }
0xa9: {  	s7 =	sshll.u32 s26, $0x1;
	_ =	strace $0x80000046;
	[dreg:$0x1] =	wrdreg $0xFFFFFFFF  }
0xaa: {  	s28 =	simm.s32 $_size_execute0_lowered;
	s6 =	sadd.s32 s6, s7;
	[dreg:$0x0] =	wrdreg $0x0  }
0xab: {  	s7 =	sshll.u32 s28, $0x1;
	[dreg:$0x2] =	wrdreg s6  }
0xac: {  	[dreg:$0x3] =	wrdreg s7  }
0xad: {  	[dreg:$0x4] =	wrdreg $0xC0  }
0xae: {  	_ =	task [dreg:s10], $0x5FFFF  }
0xaf: {  	[dreg:$0x1] =	wrdreg $0xFFFFFFFF  }
0xb0: {  	[dreg:$0x0] =	wrdreg $0x60  }
0xb1: {  	[dreg:$0x2] =	wrdreg s2  }
0xb2: {  	[dreg:$0x3] =	wrdreg s19  }
0xb3: {  	[dreg:$0x4] =	wrdreg s4  }
0xb4: {  	[dreg:$0x5] =	wrdreg s5  }
0xb5: {  	[dreg:$0x6] =	wrdreg $0x9  }
0xb6: {  	_ =	task.clear_ibuf [dreg:s10], $0x7FFFF;
	_ =	strace $0x90000046  }
0xb7: {  	s29 =	simm.s32 $0x9;
	_ =	strace $0x80000048  }
0xb8: {  	_ =	swait.ge [sflag:s29], $0x1  }
0xb9: {  	[sflag:s29] =	ssyncadd.s32 $0xFFFFFFFF  }
0xba: {  	_ =	strace $0x90000048  }
0xbb: {  	_ =	sfence  }
0xbc: {  	s30 =	sld [smem:$0x0];
	_ =	sdelay $0x2  }
0xbd: {  	s31 =	sshll.u32 s1, $0xD;
	s1 =	sshrl.u32 s1, $0x2  }
0xbe: {  	s3 =	sand.u32 $0x4000, s31;
	s1 =	sadd.s32 s1, s30  }
0xbf: {  	s0 =	sor.u32 s3, s0;
	s1 =	sshll.u32 s1, $0x11  }
0xc0: {  	s0 =	sor.u32 s1, s0  }
0xc1: {  	s0 =	sadd.s32 $0x8F2B, s0  }
0xc2: {  	[sflag:s0] =	ssyncadd.remote.s32 $0x1  }
0xc3: {  	_ =	sfence.sel $0xFFFF  }
0xc4: {  	[dreg:$0x0] =	wrdreg $0xFFFFFFFF;
	(pc) =	sbr.abs _section_cstart, $3  }
0xc5: {  	[dreg:$0x1] =	wrdreg $0xFFFFFFFF  }
0xc6: {  	_ =	task.clear_ibuf [dreg:s10], $0x2FFFF;
	_ =	strace $0x9FFFFFFF  }
0xc7: {  	(tm) =	ssettm $0x7FFFFFFF  }
tec
execute0_lowered:
.L_overlay_start_1:
0x0: {  	(tag) =	ssettag $0x1  }
0x1: {  	s0 =	rddreg [dreg:$0x0]  }
0x2: {  	s1 =	rddreg [dreg:$0x1]  }
0x3: {  	s2 =	rddreg [dreg:$0x2]  }
0x4: {  	s4 =	rddreg [dreg:$0x3]  }
0x5: {  	s3 =	srdreg.scid;
	s6 =	stileid.u32  }
0x6: {  	s16 =	simm.s32 $0xA;
	s17 =	simm.s32 $0x40;
	s9 =	simm.s32 $0x480  }
0x7: {  	s21 =	simm.s32 $0x4480;
	s28 =	simm.s32 $0x2;
	s30 =	simm.s32 $0x8480  }
0x8: {  	s31 =	simm.s32 $0x3;
	s20 =	simm.s32 $0x4;
	s22 =	simm.s32 $0x6  }
0x9: {  	s29 =	simm.s32 $0x7;
	s5 =	sand.u32 $0x1, s3;
	s3 =	simm.s32 $0x0  }
0xa: {  	s6 =	sshll.u32 s6, $0xA;
	s25 =	sadd.s32 $0x186A00, s2;
	s7 =	sshll.u32 s5, $0x9  }
0xb: {  	[smem:$0x7FF] =	sst s3;
	s5 =	ssub.s32 $0x2, s5;
	s6 =	sor.u32 s7, s6  }
0xc: {  	_ =	strace $0x80000047;
	s23 =	sshrl.u32 s5, $0x1;
	[dreg:$0x7] =	wrdreg s25  }
0xd: {  	s25 =	simm.s32 $0x5;
	s8 =	sshrl.u32 s6, $0x3;
	s5 =	ssub.s32 s5, s23  }
0xe: {  	s24 =	sshll.u32 s6, $0x4;
	s23 =	simm.s32 $0xC480;
	s6 =	simm.s32 $0x0  }
0xf: {  	s0 =	sadd.s32 s0, s8;
	s1 =	sadd.s32 s1, s8;
	s7 =	sadd.s32 s4, s24  }
0x10: {  	s15 =	smax.u32 s5, $0x1;
	s24 =	simm.s32 $0x1;
	[dreg:$0x5] =	wrdreg s0  }
0x11: {  	s4 =	simm.s32 $0x8;
	s5 =	simm.s32 $0x9;
	[dreg:$0x6] =	wrdreg s1  }
0x12: {  	s0 =	sadd.s32 $0x400, s7;
	s26 =	sadd.s32 $0x800, s7;
	s10 =	sadd.s32 $0xC00, s7  }
0x13: {  	s11 =	sadd.s32 $0x1000, s7;
	s12 =	sadd.s32 $0x1400, s7;
	s13 =	sadd.s32 $0x1800, s7  }
0x14: {  	s14 =	sadd.s32 $0x1C00, s7;
	s1 =	simm.s32 $0xA480;
	[dreg:$0x8] =	wrdreg s0  }
0x15: {  	[dreg:$0x9] =	wrdreg s26;
	s26 =	simm.s32 $0x6480;
	s0 =	simm.s32 $0xE480  }
.LBB2_1:
0x16: {  	s8 =	rddreg [dreg:$0x5]  }
0x17: {  	[tilespmem:s3], [sflag:$0xA] =	stream.linear.gather [hbm4b:s8+s3], $0x200, $0x38;
	[tilespmem:$0x10500] =	vst v63  }
0x18: {  	_ =	swait.ge [sflag:s16], $0x200  }
0x19: {  	[sflag:s16] =	ssyncset.done $0x0  }
0x1a: {  	[sflag:s16] =	ssyncadd.s32 $0xFFFFFE00  }
0x1b: {  	[tilespmem:s9], [sflag:$0x1] =	stream.indirect.gather [hbm4b:s2+s17], $0x80, s3, s17, $0xb8;
	[tilespmem:$0x10500] =	vst v63  }
0x1c: {  	s19 =	simm.s32 $0x2480  }
0x1d: {  	[tilespmem:s19], [sflag:$0x2] =	stream.indirect.gather [hbm4b:s2+s17], $0x80, s17, s17, $0xb8;
	[tilespmem:$0x10500] =	vst v63  }
0x1e: {  	s18 =	simm.s32 $0x80  }
0x1f: {  	[tilespmem:s21], [sflag:$0x3] =	stream.indirect.gather [hbm4b:s2+s17], $0x80, s18, s17, $0xb8;
	[tilespmem:$0x10500] =	vst v63  }
0x20: {  	s19 =	rddreg [dreg:$0x6];
	s18 =	simm.s32 $0x200  }
0x21: {  	[tilespmem:s18], [sflag:$0xA] =	stream.linear.gather [hbm4b:s19+s3], $0x200, $0x38;
	[tilespmem:$0x10500] =	vst v63  }
0x22: {  	_ =	swait.ge [sflag:s16], $0x200  }
0x23: {  	[sflag:s16] =	ssyncset.done $0x0  }
0x24: {  	s19 =	simm.s32 $0x10480;
	s18 =	rddreg [dreg:$0x7];
	[sflag:s16] =	ssyncadd.s32 $0xFFFFFE00  }
0x25: {  	[tilespmem:s19], [sflag:$0xA] =	stream.linear.gather [hbm4b:s18+s3], $0x80, $0x38;
	[tilespmem:$0x10500] =	vst v63  }
0x26: {  	_ =	swait.ge [sflag:s16], $0x80  }
0x27: {  	[sflag:s16] =	ssyncset.done $0x0  }
0x28: {  	[sflag:s16] =	ssyncadd.s32 $0xFFFFFF80  }
0x29: {  	v0 =	vld [tilespmem:$0x10480]  }
0x2a: {  	v1 =	vld [tilespmem:$0x10490]  }
0x2b: {  	v2 =	vld [tilespmem:$0x104A0]  }
0x2c: {  	v3 =	vld [tilespmem:$0x104B0]  }
0x2d: {  	v4 =	vld [tilespmem:$0x104C0]  }
0x2e: {  	v5 =	vld [tilespmem:$0x104D0]  }
0x2f: {  	v6 =	vld [tilespmem:$0x104E0]  }
0x30: {  	v7 =	vld [tilespmem:$0x104F0];
	_ =	swait.ge [sflag:s24], $0x2000  }
0x31: {  	[sflag:s24] =	ssyncset.done $0x0  }
0x32: {  	s19 =	simm.s32 $0xC0;
	s18 =	simm.s32 $0x0;
	[sflag:s24] =	ssyncadd.s32 $0xFFFFE000  }
0x33: {  	[tilespmem:s26], [sflag:$0x4] =	stream.indirect.gather [hbm4b:s2+s17], $0x80, s19, s17, $0xb8;
	[tilespmem:$0x10500] =	vst v63  }
0x34: {  	v8 =	vld [tilespmem:s18+$0x200];
	_ =	sdelay $0x4  }
0x35: {  	(v2sf) =	vpush v8, $0x0;
	_ =	sdelay $0xe  }
0x36: {  	s19 =	spop (v2sf)  }
0x37: {  	s18 =	simm.s32 $0x4C0;
	p1 =	seq.s32 s19, $0x0  }
0x38: {  	[tilespmem:s18+$0xFFFFFFC0] =	vst @!p1 v0  }
0x39: {  	[tilespmem:s18+$0xFFFFFFD0] =	vst @!p1 v1  }
0x3a: {  	[tilespmem:s18+$0xFFFFFFE0] =	vst @!p1 v2  }
0x3b: {  	[tilespmem:s18+$0xFFFFFFF0] =	vst @!p1 v3  }
0x3c: {  	[tilespmem:s18+$0x0] =	vst @!p1 v4  }
0x3d: {  	[tilespmem:s18+$0x10] =	vst @!p1 v5  }
0x3e: {  	s8 =	simm.s32 $0x4;
	[tilespmem:s18+$0x20] =	vst @!p1 v6  }
.LBB2_2:
0x3f: {  	s19 =	sshra.s32 s8, $0x2;
	s8 =	sadd.s32 $0x4, s8;
	[tilespmem:s18+$0x30] =	vst @!p1 v7  }
0x40: {  	v8 =	vld [tilespmem:s19+$0x200];
	p0 =	sne.s32 s8, $0x100;
	_ =	sdelay $0x4  }
0x41: {  	(v2sf) =	vpush v8, $0x0;
	_ =	sdelay $0xe  }
0x42: {  	s19 =	spop (v2sf)  }
0x43: {  	s18 =	sadd.s32 $0x80, s18;
	p1 =	seq.s32 s19, $0x0  }
0x44: {  	[tilespmem:s18+$0xFFFFFFC0] =	vst @!p1 v0  }
0x45: {  	[tilespmem:s18+$0xFFFFFFD0] =	vst @!p1 v1  }
.Ltmp0:
0x46: {  	[tilespmem:s18+$0xFFFFFFE0] =	vst @!p1 v2;
	(pc) =	sbr.rel @p0 .LBB2_2-.Ltmp0, $4  }
0x47: {  	[tilespmem:s18+$0xFFFFFFF0] =	vst @!p1 v3  }
0x48: {  	[tilespmem:s18+$0x0] =	vst @!p1 v4  }
0x49: {  	[tilespmem:s18+$0x10] =	vst @!p1 v5  }
0x4a: {  	[tilespmem:s18+$0x20] =	vst @!p1 v6  }
0x4b: {  	[tilespmem:s18+$0x30] =	vst @!p1 v7;
	s8 =	simm.s32 $0x0  }
0x4c: {  	[hbm4b:s7+s8] =	stream.linear.scatter [tilespmem:s9], [sflag:$0x9], $0x2000, $0x38;
	[tilespmem:$0x10500] =	vst v63  }
0x4d: {  	_ =	swait.ge [sflag:s28], $0x2000  }
0x4e: {  	[sflag:s28] =	ssyncset.done $0x0  }
0x4f: {  	s18 =	simm.s32 $0x0;
	s9 =	simm.s32 $0x100;
	[sflag:s28] =	ssyncadd.s32 $0xFFFFE000  }
0x50: {  	[tilespmem:s30], [sflag:$0x5] =	stream.indirect.gather [hbm4b:s2+s17], $0x80, s9, s17, $0xb8;
	[tilespmem:$0x10500] =	vst v63  }
0x51: {  	v8 =	vld [tilespmem:s18+$0x240];
	_ =	sdelay $0x4  }
0x52: {  	(v2sf) =	vpush v8, $0x0;
	_ =	sdelay $0xe  }
0x53: {  	s19 =	spop (v2sf)  }
0x54: {  	s18 =	simm.s32 $0x24F0;
	p1 =	seq.s32 s19, $0x0  }
0x55: {  	[tilespmem:s18+$0xFFFFFF90] =	vst @!p1 v0  }
0x56: {  	[tilespmem:s18+$0xFFFFFFA0] =	vst @!p1 v1  }
0x57: {  	[tilespmem:s18+$0xFFFFFFB0] =	vst @!p1 v2  }
0x58: {  	[tilespmem:s18+$0xFFFFFFC0] =	vst @!p1 v3  }
0x59: {  	[tilespmem:s18+$0xFFFFFFD0] =	vst @!p1 v4  }
0x5a: {  	[tilespmem:s18+$0xFFFFFFE0] =	vst @!p1 v5  }
0x5b: {  	s8 =	simm.s32 $0x4;
	[tilespmem:s18+$0xFFFFFFF0] =	vst @!p1 v6  }
.LBB2_4:
0x5c: {  	s19 =	sshra.s32 s8, $0x2;
	s8 =	sadd.s32 $0x4, s8;
	[tilespmem:s18+$0x0] =	vst @!p1 v7  }
0x5d: {  	v8 =	vld [tilespmem:s19+$0x240];
	p0 =	sne.s32 s8, $0x100;
	_ =	sdelay $0x4  }
0x5e: {  	(v2sf) =	vpush v8, $0x0;
	_ =	sdelay $0xe  }
0x5f: {  	s19 =	spop (v2sf)  }
0x60: {  	s18 =	sadd.s32 $0x80, s18;
	p1 =	seq.s32 s19, $0x0  }
0x61: {  	[tilespmem:s18+$0xFFFFFF90] =	vst @!p1 v0  }
0x62: {  	[tilespmem:s18+$0xFFFFFFA0] =	vst @!p1 v1  }
.Ltmp1:
0x63: {  	[tilespmem:s18+$0xFFFFFFB0] =	vst @!p1 v2;
	(pc) =	sbr.rel @p0 .LBB2_4-.Ltmp1, $4  }
0x64: {  	[tilespmem:s18+$0xFFFFFFC0] =	vst @!p1 v3  }
0x65: {  	[tilespmem:s18+$0xFFFFFFD0] =	vst @!p1 v4  }
0x66: {  	[tilespmem:s18+$0xFFFFFFE0] =	vst @!p1 v5  }
0x67: {  	[tilespmem:s18+$0xFFFFFFF0] =	vst @!p1 v6  }
0x68: {  	[tilespmem:s18+$0x0] =	vst @!p1 v7;
	s8 =	simm.s32 $0x0;
	s9 =	rddreg [dreg:$0x8];
	s19 =	simm.s32 $0x2480  }
0x69: {  	[hbm4b:s9+s8] =	stream.linear.scatter [tilespmem:s19], [sflag:$0x9], $0x2000, $0x38;
	[tilespmem:$0x10500] =	vst v63  }
0x6a: {  	_ =	swait.ge [sflag:s31], $0x2000  }
0x6b: {  	[sflag:s31] =	ssyncset.done $0x0  }
0x6c: {  	s18 =	simm.s32 $0x140;
	[sflag:s31] =	ssyncadd.s32 $0xFFFFE000  }
0x6d: {  	[tilespmem:s1], [sflag:$0x6] =	stream.indirect.gather [hbm4b:s2+s17], $0x80, s18, s17, $0xb8;
	[tilespmem:$0x10500] =	vst v63  }
0x6e: {  	s18 =	simm.s32 $0x280  }
0x6f: {  	v8 =	vld [tilespmem:s18+$0x0];
	_ =	sdelay $0x4  }
0x70: {  	(v2sf) =	vpush v8, $0x0;
	_ =	sdelay $0xe  }
0x71: {  	s19 =	spop (v2sf)  }
0x72: {  	p1 =	seq.s32 s19, $0x0  }
0x73: {  	s8 =	simm.s32 $0x200;
	s19 =	simm.s32 @!p1 $0x0  }
.LBB2_6:
0x74: {  	[tilespmem:s19+$0x44F0] =	vst @!p1 v7;
	s18 =	sadd.s32 $0x1, s18;
	s9 =	smov.u32 s8;
	s8 =	sadd.s32 $0x200, s8  }
0x75: {  	p0 =	sne.s32 s8, $0x8000;
	[tilespmem:s19+$0x44E0] =	vst @!p1 v6  }
0x76: {  	[tilespmem:s19+$0x44D0] =	vst @!p1 v5  }
0x77: {  	[tilespmem:s19+$0x44C0] =	vst @!p1 v4  }
0x78: {  	[tilespmem:s19+$0x44B0] =	vst @!p1 v3  }
0x79: {  	[tilespmem:s19+$0x44A0] =	vst @!p1 v2  }
0x7a: {  	[tilespmem:s19+$0x4480] =	vst @!p1 v0  }
0x7b: {  	[tilespmem:s19+$0x4490] =	vst @!p1 v1  }
0x7c: {  	v8 =	vld [tilespmem:s18+$0x0];
	_ =	sdelay $0x4  }
0x7d: {  	(v2sf) =	vpush v8, $0x0;
	_ =	sdelay $0xc  }
.Ltmp2:
0x7e: {  	(pc) =	sbr.rel @p0 .LBB2_6-.Ltmp2, $4  }
0x7f: {  	_ = 	snop  }
0x80: {  	s19 =	spop (v2sf)  }
0x81: {  	p1 =	seq.s32 s19, $0x0  }
0x82: {  	s19 =	sshra.s32 @!p1 s9, $0x2  }
0x83: {  	[tilespmem:s19+$0x44F0] =	vst @!p1 v7  }
0x84: {  	[tilespmem:s19+$0x44E0] =	vst @!p1 v6  }
0x85: {  	[tilespmem:s19+$0x44D0] =	vst @!p1 v5  }
0x86: {  	[tilespmem:s19+$0x44C0] =	vst @!p1 v4  }
0x87: {  	[tilespmem:s19+$0x44B0] =	vst @!p1 v3  }
0x88: {  	[tilespmem:s19+$0x44A0] =	vst @!p1 v2  }
0x89: {  	[tilespmem:s19+$0x4480] =	vst @!p1 v0  }
0x8a: {  	[tilespmem:s19+$0x4490] =	vst @!p1 v1;
	s8 =	simm.s32 $0x0;
	s9 =	rddreg [dreg:$0x9]  }
0x8b: {  	[hbm4b:s9+s8] =	stream.linear.scatter [tilespmem:s21], [sflag:$0x9], $0x2000, $0x38;
	[tilespmem:$0x10500] =	vst v63  }
0x8c: {  	_ =	swait.ge [sflag:s20], $0x2000  }
0x8d: {  	[sflag:s20] =	ssyncset.done $0x0  }
0x8e: {  	s18 =	simm.s32 $0x180;
	[sflag:s20] =	ssyncadd.s32 $0xFFFFE000  }
0x8f: {  	[tilespmem:s23], [sflag:$0x7] =	stream.indirect.gather [hbm4b:s2+s17], $0x80, s18, s17, $0xb8;
	[tilespmem:$0x10500] =	vst v63  }
0x90: {  	s18 =	simm.s32 $0x2C0  }
0x91: {  	v8 =	vld [tilespmem:s18+$0x0];
	_ =	sdelay $0x4  }
0x92: {  	(v2sf) =	vpush v8, $0x0;
	_ =	sdelay $0xe  }
0x93: {  	s19 =	spop (v2sf)  }
0x94: {  	p1 =	seq.s32 s19, $0x0  }
0x95: {  	s8 =	simm.s32 $0x200;
	s19 =	simm.s32 @!p1 $0x0  }
.LBB2_8:
0x96: {  	[tilespmem:s19+$0x64F0] =	vst @!p1 v7;
	s18 =	sadd.s32 $0x1, s18;
	s9 =	smov.u32 s8;
	s8 =	sadd.s32 $0x200, s8  }
0x97: {  	p0 =	sne.s32 s8, $0x8000;
	[tilespmem:s19+$0x64E0] =	vst @!p1 v6  }
0x98: {  	[tilespmem:s19+$0x64D0] =	vst @!p1 v5  }
0x99: {  	[tilespmem:s19+$0x64C0] =	vst @!p1 v4  }
0x9a: {  	[tilespmem:s19+$0x64B0] =	vst @!p1 v3  }
0x9b: {  	[tilespmem:s19+$0x64A0] =	vst @!p1 v2  }
0x9c: {  	[tilespmem:s19+$0x6480] =	vst @!p1 v0  }
0x9d: {  	[tilespmem:s19+$0x6490] =	vst @!p1 v1  }
0x9e: {  	v8 =	vld [tilespmem:s18+$0x0];
	_ =	sdelay $0x4  }
0x9f: {  	(v2sf) =	vpush v8, $0x0;
	_ =	sdelay $0xc  }
.Ltmp3:
0xa0: {  	(pc) =	sbr.rel @p0 .LBB2_8-.Ltmp3, $4  }
0xa1: {  	_ = 	snop  }
0xa2: {  	s19 =	spop (v2sf)  }
0xa3: {  	p1 =	seq.s32 s19, $0x0  }
0xa4: {  	s19 =	sshra.s32 @!p1 s9, $0x2  }
0xa5: {  	[tilespmem:s19+$0x64F0] =	vst @!p1 v7  }
0xa6: {  	[tilespmem:s19+$0x64E0] =	vst @!p1 v6  }
0xa7: {  	[tilespmem:s19+$0x64D0] =	vst @!p1 v5  }
0xa8: {  	[tilespmem:s19+$0x64C0] =	vst @!p1 v4  }
0xa9: {  	[tilespmem:s19+$0x64B0] =	vst @!p1 v3  }
0xaa: {  	[tilespmem:s19+$0x64A0] =	vst @!p1 v2  }
0xab: {  	[tilespmem:s19+$0x6480] =	vst @!p1 v0  }
0xac: {  	[tilespmem:s19+$0x6490] =	vst @!p1 v1;
	s8 =	simm.s32 $0x0  }
0xad: {  	[hbm4b:s10+s8] =	stream.linear.scatter [tilespmem:s26], [sflag:$0x9], $0x2000, $0x38;
	[tilespmem:$0x10500] =	vst v63  }
0xae: {  	_ =	swait.ge [sflag:s25], $0x2000  }
0xaf: {  	[sflag:s25] =	ssyncset.done $0x0  }
0xb0: {  	s18 =	simm.s32 $0x1C0;
	[sflag:s25] =	ssyncadd.s32 $0xFFFFE000  }
0xb1: {  	[tilespmem:s0], [sflag:$0x8] =	stream.indirect.gather [hbm4b:s2+s17], $0x80, s18, s17, $0xb8;
	[tilespmem:$0x10500] =	vst v63  }
0xb2: {  	s18 =	simm.s32 $0x300  }
0xb3: {  	v8 =	vld [tilespmem:s18+$0x0];
	_ =	sdelay $0x4  }
0xb4: {  	(v2sf) =	vpush v8, $0x0;
	_ =	sdelay $0xe  }
0xb5: {  	s19 =	spop (v2sf)  }
0xb6: {  	p1 =	seq.s32 s19, $0x0  }
0xb7: {  	s8 =	simm.s32 $0x200;
	s19 =	simm.s32 @!p1 $0x0  }
.LBB2_10:
0xb8: {  	[tilespmem:s19+$0x84F0] =	vst @!p1 v7;
	s18 =	sadd.s32 $0x1, s18;
	s9 =	smov.u32 s8;
	s8 =	sadd.s32 $0x200, s8  }
0xb9: {  	p0 =	sne.s32 s8, $0x8000;
	[tilespmem:s19+$0x84E0] =	vst @!p1 v6  }
0xba: {  	[tilespmem:s19+$0x84D0] =	vst @!p1 v5  }
0xbb: {  	[tilespmem:s19+$0x84C0] =	vst @!p1 v4  }
0xbc: {  	[tilespmem:s19+$0x84B0] =	vst @!p1 v3  }
0xbd: {  	[tilespmem:s19+$0x84A0] =	vst @!p1 v2  }
0xbe: {  	[tilespmem:s19+$0x8480] =	vst @!p1 v0  }
0xbf: {  	[tilespmem:s19+$0x8490] =	vst @!p1 v1  }
0xc0: {  	v8 =	vld [tilespmem:s18+$0x0];
	_ =	sdelay $0x4  }
0xc1: {  	(v2sf) =	vpush v8, $0x0;
	_ =	sdelay $0xc  }
.Ltmp4:
0xc2: {  	(pc) =	sbr.rel @p0 .LBB2_10-.Ltmp4, $4  }
0xc3: {  	_ = 	snop  }
0xc4: {  	s19 =	spop (v2sf)  }
0xc5: {  	p1 =	seq.s32 s19, $0x0  }
0xc6: {  	s19 =	sshra.s32 @!p1 s9, $0x2  }
0xc7: {  	[tilespmem:s19+$0x84F0] =	vst @!p1 v7  }
0xc8: {  	[tilespmem:s19+$0x84E0] =	vst @!p1 v6  }
0xc9: {  	[tilespmem:s19+$0x84D0] =	vst @!p1 v5  }
0xca: {  	[tilespmem:s19+$0x84C0] =	vst @!p1 v4  }
0xcb: {  	[tilespmem:s19+$0x84B0] =	vst @!p1 v3  }
0xcc: {  	[tilespmem:s19+$0x84A0] =	vst @!p1 v2  }
0xcd: {  	[tilespmem:s19+$0x8480] =	vst @!p1 v0  }
0xce: {  	[tilespmem:s19+$0x8490] =	vst @!p1 v1;
	s8 =	simm.s32 $0x0  }
0xcf: {  	[hbm4b:s11+s8] =	stream.linear.scatter [tilespmem:s30], [sflag:$0x9], $0x2000, $0x38;
	[tilespmem:$0x10500] =	vst v63  }
0xd0: {  	_ =	swait.ge [sflag:s22], $0x2000  }
0xd1: {  	[sflag:s22] =	ssyncset.done $0x0  }
0xd2: {  	s18 =	simm.s32 $0x340;
	[sflag:s22] =	ssyncadd.s32 $0xFFFFE000  }
0xd3: {  	v8 =	vld [tilespmem:s18+$0x0];
	_ =	sdelay $0x4  }
0xd4: {  	(v2sf) =	vpush v8, $0x0;
	_ =	sdelay $0xe  }
0xd5: {  	s19 =	spop (v2sf)  }
0xd6: {  	p1 =	seq.s32 s19, $0x0  }
0xd7: {  	s8 =	simm.s32 $0x200;
	s19 =	simm.s32 @!p1 $0x0  }
.LBB2_12:
0xd8: {  	[tilespmem:s19+$0xA4F0] =	vst @!p1 v7;
	s18 =	sadd.s32 $0x1, s18;
	s9 =	smov.u32 s8;
	s8 =	sadd.s32 $0x200, s8  }
0xd9: {  	p0 =	sne.s32 s8, $0x8000;
	[tilespmem:s19+$0xA4E0] =	vst @!p1 v6  }
0xda: {  	[tilespmem:s19+$0xA4D0] =	vst @!p1 v5  }
0xdb: {  	[tilespmem:s19+$0xA4C0] =	vst @!p1 v4  }
0xdc: {  	[tilespmem:s19+$0xA4B0] =	vst @!p1 v3  }
0xdd: {  	[tilespmem:s19+$0xA4A0] =	vst @!p1 v2  }
0xde: {  	[tilespmem:s19+$0xA480] =	vst @!p1 v0  }
0xdf: {  	[tilespmem:s19+$0xA490] =	vst @!p1 v1  }
0xe0: {  	v8 =	vld [tilespmem:s18+$0x0];
	_ =	sdelay $0x4  }
0xe1: {  	(v2sf) =	vpush v8, $0x0;
	_ =	sdelay $0xc  }
.Ltmp5:
0xe2: {  	(pc) =	sbr.rel @p0 .LBB2_12-.Ltmp5, $4  }
0xe3: {  	_ = 	snop  }
0xe4: {  	s19 =	spop (v2sf)  }
0xe5: {  	p1 =	seq.s32 s19, $0x0  }
0xe6: {  	s19 =	sshra.s32 @!p1 s9, $0x2  }
0xe7: {  	[tilespmem:s19+$0xA4F0] =	vst @!p1 v7  }
0xe8: {  	[tilespmem:s19+$0xA4E0] =	vst @!p1 v6  }
0xe9: {  	[tilespmem:s19+$0xA4D0] =	vst @!p1 v5  }
0xea: {  	[tilespmem:s19+$0xA4C0] =	vst @!p1 v4  }
0xeb: {  	[tilespmem:s19+$0xA4B0] =	vst @!p1 v3  }
0xec: {  	[tilespmem:s19+$0xA4A0] =	vst @!p1 v2  }
0xed: {  	[tilespmem:s19+$0xA480] =	vst @!p1 v0  }
0xee: {  	[tilespmem:s19+$0xA490] =	vst @!p1 v1;
	s8 =	simm.s32 $0x0  }
0xef: {  	[hbm4b:s12+s8] =	stream.linear.scatter [tilespmem:s1], [sflag:$0x9], $0x2000, $0x38;
	[tilespmem:$0x10500] =	vst v63  }
0xf0: {  	_ =	swait.ge [sflag:s29], $0x2000  }
0xf1: {  	[sflag:s29] =	ssyncset.done $0x0  }
0xf2: {  	s18 =	simm.s32 $0x380;
	[sflag:s29] =	ssyncadd.s32 $0xFFFFE000  }
0xf3: {  	v8 =	vld [tilespmem:s18+$0x0];
	_ =	sdelay $0x4  }
0xf4: {  	(v2sf) =	vpush v8, $0x0;
	_ =	sdelay $0xe  }
0xf5: {  	s19 =	spop (v2sf)  }
0xf6: {  	p1 =	seq.s32 s19, $0x0  }
0xf7: {  	s8 =	simm.s32 $0x200;
	s19 =	simm.s32 @!p1 $0x0  }
.LBB2_14:
0xf8: {  	[tilespmem:s19+$0xC4F0] =	vst @!p1 v7;
	s18 =	sadd.s32 $0x1, s18;
	s9 =	smov.u32 s8;
	s8 =	sadd.s32 $0x200, s8  }
0xf9: {  	p0 =	sne.s32 s8, $0x8000;
	[tilespmem:s19+$0xC4E0] =	vst @!p1 v6  }
0xfa: {  	[tilespmem:s19+$0xC4D0] =	vst @!p1 v5  }
0xfb: {  	[tilespmem:s19+$0xC4C0] =	vst @!p1 v4  }
0xfc: {  	[tilespmem:s19+$0xC4B0] =	vst @!p1 v3  }
0xfd: {  	[tilespmem:s19+$0xC4A0] =	vst @!p1 v2  }
0xfe: {  	[tilespmem:s19+$0xC480] =	vst @!p1 v0  }
0xff: {  	[tilespmem:s19+$0xC490] =	vst @!p1 v1  }
0x100: {  	v8 =	vld [tilespmem:s18+$0x0];
	_ =	sdelay $0x4  }
0x101: {  	(v2sf) =	vpush v8, $0x0;
	_ =	sdelay $0xc  }
.Ltmp6:
0x102: {  	(pc) =	sbr.rel @p0 .LBB2_14-.Ltmp6, $4  }
0x103: {  	_ = 	snop  }
0x104: {  	s19 =	spop (v2sf)  }
0x105: {  	p1 =	seq.s32 s19, $0x0  }
0x106: {  	s19 =	sshra.s32 @!p1 s9, $0x2  }
0x107: {  	[tilespmem:s19+$0xC4F0] =	vst @!p1 v7  }
0x108: {  	[tilespmem:s19+$0xC4E0] =	vst @!p1 v6  }
0x109: {  	[tilespmem:s19+$0xC4D0] =	vst @!p1 v5  }
0x10a: {  	[tilespmem:s19+$0xC4C0] =	vst @!p1 v4  }
0x10b: {  	[tilespmem:s19+$0xC4B0] =	vst @!p1 v3  }
0x10c: {  	[tilespmem:s19+$0xC4A0] =	vst @!p1 v2  }
0x10d: {  	[tilespmem:s19+$0xC480] =	vst @!p1 v0  }
0x10e: {  	[tilespmem:s19+$0xC490] =	vst @!p1 v1;
	s8 =	simm.s32 $0x0  }
0x10f: {  	[hbm4b:s13+s8] =	stream.linear.scatter [tilespmem:s23], [sflag:$0x9], $0x2000, $0x38;
	[tilespmem:$0x10500] =	vst v63  }
0x110: {  	_ =	swait.ge [sflag:s4], $0x2000  }
0x111: {  	[sflag:s4] =	ssyncset.done $0x0  }
0x112: {  	s18 =	simm.s32 $0x3C0;
	[sflag:s4] =	ssyncadd.s32 $0xFFFFE000  }
0x113: {  	v8 =	vld [tilespmem:s18+$0x0];
	_ =	sdelay $0x4  }
0x114: {  	(v2sf) =	vpush v8, $0x0;
	_ =	sdelay $0xe  }
0x115: {  	s19 =	spop (v2sf)  }
0x116: {  	p1 =	seq.s32 s19, $0x0  }
0x117: {  	s8 =	simm.s32 $0x200;
	s19 =	simm.s32 @!p1 $0x0  }
.LBB2_16:
0x118: {  	[tilespmem:s19+$0xE4F0] =	vst @!p1 v7;
	s18 =	sadd.s32 $0x1, s18;
	s9 =	smov.u32 s8;
	s8 =	sadd.s32 $0x200, s8  }
0x119: {  	p0 =	sne.s32 s8, $0x8000;
	[tilespmem:s19+$0xE4E0] =	vst @!p1 v6  }
0x11a: {  	[tilespmem:s19+$0xE4D0] =	vst @!p1 v5  }
0x11b: {  	[tilespmem:s19+$0xE4C0] =	vst @!p1 v4  }
0x11c: {  	[tilespmem:s19+$0xE4B0] =	vst @!p1 v3  }
0x11d: {  	[tilespmem:s19+$0xE4A0] =	vst @!p1 v2  }
0x11e: {  	[tilespmem:s19+$0xE480] =	vst @!p1 v0  }
0x11f: {  	[tilespmem:s19+$0xE490] =	vst @!p1 v1  }
0x120: {  	v8 =	vld [tilespmem:s18+$0x0];
	_ =	sdelay $0x4  }
0x121: {  	(v2sf) =	vpush v8, $0x0;
	_ =	sdelay $0xc  }
.Ltmp7:
0x122: {  	(pc) =	sbr.rel @p0 .LBB2_16-.Ltmp7, $4  }
0x123: {  	_ = 	snop  }
0x124: {  	s19 =	spop (v2sf)  }
0x125: {  	p1 =	seq.s32 s19, $0x0  }
0x126: {  	s19 =	sshra.s32 @!p1 s9, $0x2  }
0x127: {  	[tilespmem:s19+$0xE4F0] =	vst @!p1 v7  }
0x128: {  	[tilespmem:s19+$0xE4E0] =	vst @!p1 v6  }
0x129: {  	[tilespmem:s19+$0xE4D0] =	vst @!p1 v5  }
0x12a: {  	[tilespmem:s19+$0xE4C0] =	vst @!p1 v4  }
0x12b: {  	[tilespmem:s19+$0xE4B0] =	vst @!p1 v3  }
0x12c: {  	[tilespmem:s19+$0xE4A0] =	vst @!p1 v2  }
0x12d: {  	[tilespmem:s19+$0xE480] =	vst @!p1 v0  }
0x12e: {  	[tilespmem:s19+$0xE490] =	vst @!p1 v1  }
0x12f: {  	[hbm4b:s14+s3] =	stream.linear.scatter [tilespmem:s0], [sflag:$0x9], $0x2000, $0x38;
	[tilespmem:$0x10500] =	vst v63  }
0x130: {  	_ =	swait.ge [sflag:s5], $0x2000  }
0x131: {  	[sflag:s5] =	ssyncset.done $0x0  }
0x132: {  	[sflag:s5] =	ssyncadd.s32 $0xFFFFE000  }
0x133: {  	_ =	swait.ge [sflag:s5], $0x2000  }
0x134: {  	[sflag:s5] =	ssyncset.done $0x0  }
0x135: {  	[sflag:s5] =	ssyncadd.s32 $0xFFFFE000  }
0x136: {  	_ =	swait.ge [sflag:s5], $0x2000  }
0x137: {  	[sflag:s5] =	ssyncset.done $0x0  }
0x138: {  	[sflag:s5] =	ssyncadd.s32 $0xFFFFE000  }
0x139: {  	_ =	swait.ge [sflag:s5], $0x2000  }
0x13a: {  	[sflag:s5] =	ssyncset.done $0x0  }
0x13b: {  	[sflag:s5] =	ssyncadd.s32 $0xFFFFE000  }
0x13c: {  	_ =	swait.ge [sflag:s5], $0x2000  }
0x13d: {  	[sflag:s5] =	ssyncset.done $0x0  }
0x13e: {  	[sflag:s5] =	ssyncadd.s32 $0xFFFFE000  }
0x13f: {  	_ =	swait.ge [sflag:s5], $0x2000  }
0x140: {  	[sflag:s5] =	ssyncset.done $0x0  }
0x141: {  	s6 =	sadd.s32 $0x1, s6;
	[sflag:s5] =	ssyncadd.s32 $0xFFFFE000  }
0x142: {  	p0 =	sne.s32 s6, s15;
	_ =	swait.ge [sflag:s5], $0x2000  }
.Ltmp8:
0x143: {  	[sflag:s5] =	ssyncset.done $0x0;
	(pc) =	sbr.rel @p0 .LBB2_1-.Ltmp8, $4  }
0x144: {  	[sflag:s5] =	ssyncadd.s32 $0xFFFFE000  }
0x145: {  	_ =	swait.ge [sflag:s5], $0x2000  }
0x146: {  	[sflag:s5] =	ssyncset.done $0x0  }
0x147: {  	s9 =	simm.s32 $0x480;
	[sflag:s5] =	ssyncadd.s32 $0xFFFFE000  }
0x148: {  	_ =	sfence.sel $0x180000  }
0x149: {  	[bflag:$0x0] =	sbarrier.arrive $0xFFFF  }
0x14a: {  	_ =	strace $0x90000047  }
0x14b: {  	s0 =	stileid.u32;
	[bflag:$0x2] =	sbarrier.arrive $0xFFFF  }
0x14c: {  	p0 =	sne.s32 s0, $0x0;
	s0 =	rddreg [dreg:$0x4]  }
0x14d: {  	s0 =	sadd.s32 @!p0 $0x100000, s0  }
0x14e: {  	[sflag:s0] =	ssyncadd.tile.s32 @!p0 $0x1;
	_ =	shalt  }
.Lfunc_end2:
_tile_overlayer_lowered:
.L_overlay_start_2:
0x14f: {  	(tag) =	ssettag $0x2  }
0x150: {  	s0 =	rddreg [dreg:$0x0];
	s2 =	stileid.u32  }
0x151: {  	s1 =	rddreg [dreg:$0x1];
	p0 =	sne.s32 s2, $0x0  }
0x152: {  	s3 =	rddreg [dreg:$0x2];
	[bflag:$0x3] =	sbarrier.arrive $0xFFFF;
	s2 =	simm.s32 @!p0 $0x1C0A  }
0x153: {  	[timem:s3], [sflag:s2] =	dma.local @!p0 [hbm:s0], s1  }
0x154: {  	s0 =	simm.s32 @!p0 $0xA  }
0x155: {  	_ =	swait.ge @!p0 [sflag:s0], s1  }
0x156: {  	s1 =	ssub.s32 @!p0 $0x0, s1;
	[sflag:s0] =	ssyncset.done @!p0 $0x0  }
0x157: {  	[sflag:s0] =	ssyncadd.s32 @!p0 s1  }
0x158: {  	[bflag:$0x3] =	sbarrier.arrive $0xFFFF  }
0x159: {  	_ =	shalt  }

</sc_bundles>
